<compile_context>
chip_gen: v7x
topology: tpu7x:2x2x1
jax: 0.10.2.dev20260603
libtpu: 0.0.44.dev20260713+nightly
codegen_flags: <defaults>
</compile_context>

<pallas_src>
import functools

import jax
import jax.numpy as jnp
from jax import lax
from jax.experimental import pallas as pl
from jax.experimental.pallas import tpu as pltpu
from jax.experimental.pallas import tpu_sc as plsc

jax.config.update("jax_enable_x64", True)

_KNN_COL_TILE = 1024

def _i0():
    return jnp.int32(0)


def _knn_kernel(x_ref, xt_ref, p1_ref, p2_ref, *, k):
    jt = pl.program_id(1)
    j_tile = p1_ref.shape[2]
    base = jt.astype(jnp.int32) * jnp.int32(j_tile)
    xb = x_ref[0, :, pl.ds(base, j_tile)]
    xall = x_ref[0]
    xtb = xt_ref[0]

    inner = jax.lax.dot(xtb, xb, precision=jax.lax.Precision.HIGHEST,
                        preferred_element_type=jnp.float32)
    xx_col = jnp.sum(xtb * xtb, axis=1, keepdims=True)

    iota_i = jax.lax.broadcasted_iota(jnp.int32, (k, j_tile), 0)
    iota_j = jax.lax.broadcasted_iota(jnp.int32, (k, j_tile), 1) + base
    inf = jnp.float32(jnp.inf)
    dist = jnp.where(iota_i == iota_j, inf,
                     xx_col - jnp.float32(2.0) * inner)

    i1 = lax.argmin(dist, axis=0, index_dtype=jnp.int32)[None, :]
    oh1 = iota_i == i1
    dist2 = jnp.where(oh1, inf, dist)
    i2 = lax.argmin(dist2, axis=0, index_dtype=jnp.int32)[None, :]
    oh2 = iota_i == i2

    bf16, f32 = jnp.bfloat16, jnp.float32
    xh = xall.astype(bf16)
    xr = xall - xh.astype(f32)
    xm = xr.astype(bf16)
    xl = (xr - xm.astype(f32)).astype(bf16)
    xcat = jnp.concatenate([xh, xm, xl], axis=0)

    def _sel(oh):
        pcat = jax.lax.dot(xcat, oh.astype(bf16), preferred_element_type=f32)
        return (pcat[0:3, :] + pcat[3:6, :]) + pcat[6:9, :]

    p1_ref[0] = _sel(oh1)
    p2_ref[0] = _sel(oh2)


def _knn_neighbours(x, xt, b, k):
    j = _KNN_COL_TILE
    grid = (b, k // j)
    out_shape = jax.ShapeDtypeStruct((b, 3, k), jnp.float32)
    return pl.pallas_call(
        functools.partial(_knn_kernel, k=k),
        grid=grid,
        in_specs=[
            pl.BlockSpec((1, 3, k), lambda bb, jt: (bb, _i0(), _i0())),
            pl.BlockSpec((1, k, 3), lambda bb, jt: (bb, _i0(), _i0())),
        ],
        out_specs=[
            pl.BlockSpec((1, 3, j), lambda bb, jt: (bb, _i0(), jt)),
            pl.BlockSpec((1, 3, j), lambda bb, jt: (bb, _i0(), jt)),
        ],
        out_shape=[out_shape, out_shape],
    )(x, xt)


def _sc_gather_body(x_hbm, mask_hbm, out_hbm, mask_v, idx_v,
                    x0_v, x1_v, x2_v, o0_v, o1_v, o2_v, sem, *, b, k, nc):
    wid = lax.axis_index("s") * nc + lax.axis_index("c")
    nvec = k // 16

    @pl.when(wid < b)
    def _():
        kk = jnp.int32(k)
        xbase = wid * jnp.int32(3 * k)
        h0 = pltpu.make_async_copy(x_hbm.at[pl.ds(xbase, k)], x0_v, sem)
        h1 = pltpu.make_async_copy(x_hbm.at[pl.ds(xbase + kk, k)], x1_v, sem)
        h2 = pltpu.make_async_copy(
            x_hbm.at[pl.ds(xbase + jnp.int32(2 * k), k)], x2_v, sem)
        h0.start()
        h1.start()
        h2.start()
        pltpu.sync_copy(mask_hbm.at[pl.ds(wid * kk, k)], mask_v)

        def compact(t, off):
            mv = mask_v[pl.ds(t * 16, 16)]
            ranks = plsc.cumsum(mv) + (off - jnp.int32(1))
            ivec = lax.iota(jnp.int32, 16) + t * jnp.int32(16)
            plsc.store_scatter(idx_v, [ranks], ivec, mask=mv > jnp.int32(0))
            return off + jnp.sum(mv, dtype=jnp.int32)

        n = lax.fori_loop(jnp.int32(0), jnp.int32(nvec), compact, jnp.int32(0))
        h0.wait()
        h1.wait()
        h2.wait()

        def emit(t, carry):
            jv = lax.iota(jnp.int32, 16) + t * jnp.int32(16)
            jm = jv % n
            iv = plsc.load_gather(idx_v, [jm])
            sl = pl.ds(t * 16, 16)
            o0_v[sl] = plsc.load_gather(x0_v, [iv])
            o1_v[sl] = plsc.load_gather(x1_v, [iv])
            o2_v[sl] = plsc.load_gather(x2_v, [iv])
            return carry

        lax.fori_loop(jnp.int32(0), jnp.int32(nvec), emit, jnp.int32(0))
        pltpu.sync_copy(o0_v, out_hbm.at[pl.ds(xbase, k)])
        pltpu.sync_copy(o1_v, out_hbm.at[pl.ds(xbase + kk, k)])
        pltpu.sync_copy(o2_v, out_hbm.at[pl.ds(xbase + jnp.int32(2 * k), k)])


def _modulo_gather_sc(x, maski, b, k):
    info = plsc.get_sparse_core_info()
    nc = info.num_cores
    mesh = plsc.VectorSubcoreMesh(core_axis_name="c", subcore_axis_name="s")
    f32, i32 = jnp.float32, jnp.int32
    fn = functools.partial(
        pl.kernel,
        mesh=mesh,
        compiler_params=pltpu.CompilerParams(needs_layout_passes=False),
        out_type=jax.ShapeDtypeStruct((b * 3 * k,), f32),
        scratch_types=[
            pltpu.VMEM((k,), i32),
            pltpu.VMEM((k,), i32),
            pltpu.VMEM((k,), f32), pltpu.VMEM((k,), f32), pltpu.VMEM((k,), f32),
            pltpu.VMEM((k,), f32), pltpu.VMEM((k,), f32), pltpu.VMEM((k,), f32),
            pltpu.SemaphoreType.DMA,
        ],
    )(functools.partial(_sc_gather_body, b=b, k=k, nc=nc))
    out_flat = fn(x.reshape(b * 3 * k), maski.reshape(b * k))
    return out_flat.reshape(b, 3, k)


def kernel(x):
    b, _, k = x.shape
    xt = jnp.transpose(x, (0, 2, 1))

    p1, p2 = _knn_neighbours(x, xt, b, k)

    x64 = x.astype(jnp.float64)
    p164 = p1.astype(jnp.float64)
    p264 = p2.astype(jnp.float64)
    value = jnp.sum((p164 * p164 + p264 * p264) * 0.5
                    - x64 * (p164 + p264) + x64 * x64, axis=1)
    kf = jnp.float64(k)
    sv = jnp.sum(value, axis=-1)
    svv = jnp.sum(value * value, axis=-1)
    mean = sv / kf
    std = jnp.sqrt(jnp.maximum(svv - kf * mean * mean, 0.0) / (kf - 1.0))
    mask = value <= (mean + 1.1 * std)[:, None]

    return _modulo_gather_sc(x, mask.astype(jnp.int32), b, k)

# --- scband reference (transcript-rebuilt; emitter-appended) ---
"""Pipeline reference for scband-sordefense-9285719294371 (READ-ONLY COPY).

The authoritative reference and input builder live on the scoring server;
editing this copy changes nothing except your own understanding.
"""

import jax, jax.numpy as jnp
import numpy as np

jax.config.update("jax_enable_x64", True)

K_NN = 2
ALPHA = 1.1
NPOINT = 1024


def _process_data(pc, npoint):
    # pc: [1 or B, n, 3]; duplicate/trim to npoint along axis 1 (faithful to torch loop)
    proc = pc
    num = npoint // pc.shape[1]
    for _ in range(num - 1):
        proc = jnp.concatenate([proc, pc], axis=1)
    num = npoint - proc.shape[1]
    dup = proc[:, :num, :]
    proc = jnp.concatenate([proc, dup], axis=1)
    assert proc.shape[1] == npoint
    return proc


def _compute_mask(x_bk3):
    # detached double-precision kNN statistics, exactly as the torch code
    pc = x_bk3.astype(jnp.float64)          # [B, K, 3]
    pct = jnp.transpose(pc, (0, 2, 1))      # [B, 3, K]
    inner = -2.0 * jnp.matmul(jnp.transpose(pct, (0, 2, 1)), pct)  # [B, K, K]
    xx = jnp.sum(pct ** 2, axis=1, keepdims=True)                   # [B, 1, K]
    dist = xx + inner + jnp.transpose(xx, (0, 2, 1))
    neg_value, _ = jax.lax.top_k(-dist, K_NN + 1)
    value = -neg_value[..., 1:]             # drop self-distance
    value = jnp.mean(value, axis=-1)        # [B, K] mean kNN distance
    mean = jnp.mean(value, axis=-1)         # [B]
    std = jnp.std(value, axis=-1, ddof=1)   # torch.std is unbiased
    threshold = mean + ALPHA * std
    return value <= threshold[:, None]      # [B, K]


def setup_inputs(seed: int = 0) -> dict:
    key = jax.random.key(seed)
    x = jax.random.normal(key, (8, 3, 1024), dtype=jnp.float32)
    return {"x": x}


def reference(x):
    x_bk3 = jnp.transpose(x, (0, 2, 1))                 # [B, K, 3]
    mask = _compute_mask(x_bk3)                         # [B, K] traced mask
    B = x_bk3.shape[0]
    K = x_bk3.shape[1]
    j = jnp.arange(NPOINT)
    outs = []
    for i in range(B):
        n = jnp.sum(mask[i])
        idx = jnp.nonzero(mask[i], size=K, fill_value=0)[0]
        sel_idx = idx[j % n]
        outs.append(x_bk3[i][sel_idx][None, ...])       # [1, NPOINT, 3]
    sel_pc = jnp.concatenate(outs, axis=0)              # [B, npoint, 3]
    sel_pc = _process_data(sel_pc, NPOINT)              # second call is a no-op pad
    return jnp.transpose(sel_pc, (0, 2, 1))             # [B, 3, npoint]

if __name__ == "__main__":
    import jax
    _d = setup_inputs()
    print(jax.jit(kernel)(*tuple(_d.values())))

</pallas_src>

<mosaic_0001>
#map = affine_map<(d0, d1) -> (0)>
module attributes {stable_mosaic.version = 14 : i64} {
  func.func @_sc_gather_body(%arg0: i32, %arg1: i32, %arg2: memref<24576xf32, #tpu.memory_space<hbm>>, %arg3: memref<8192xi32, #tpu.memory_space<hbm>>, %arg4: memref<24576xf32, #tpu.memory_space<hbm>>, %arg5: memref<1024xi32, #tpu.memory_space<vmem>>, %arg6: memref<1024xi32, #tpu.memory_space<vmem>>, %arg7: memref<1024xf32, #tpu.memory_space<vmem>>, %arg8: memref<1024xf32, #tpu.memory_space<vmem>>, %arg9: memref<1024xf32, #tpu.memory_space<vmem>>, %arg10: memref<1024xf32, #tpu.memory_space<vmem>>, %arg11: memref<1024xf32, #tpu.memory_space<vmem>>, %arg12: memref<1024xf32, #tpu.memory_space<vmem>>, %arg13: memref<!tpu.dma_semaphore, #tpu.memory_space<semaphore_mem>>) attributes {dimension_semantics = [#tpu.dimension_semantics<core_parallel>, #tpu.dimension_semantics<subcore_parallel>], iteration_bounds = array<i64: 2, 16>, scalar_prefetch = 0 : i64, scratch_operands = 9 : i64, tpu.core_type = #tpu.core_type<sc_vector_subcore>, window_params = [{transform_indices = #map}, {transform_indices = #map}, {transform_indices = #map}]} {
    %mul3A = arith.constant 2 : i32
    %mul3A_0 = arith.muli %arg1, %mul3A : i32
    %add3A = arith.addi %mul3A_0, %arg0 : i32
    %lt3A = arith.constant 8 : i32
    %lt3A_1 = arith.cmpi slt, %add3A, %lt3A : i32
    %convert_element_type3A = arith.extui %lt3A_1 : i1 to i32
    %cond3A = arith.constant 0 : i32
    %cond3A_2 = arith.cmpi ne, %convert_element_type3A, %cond3A : i32
    scf.if %cond3A_2 {
      %mul3A_3 = arith.constant 3072 : i32
      %mul3A_4 = arith.muli %add3A, %mul3A_3 : i32
      %add3A_5 = arith.constant 1024 : i32
      %add3A_6 = arith.addi %mul3A_4, %add3A_5 : i32
      %add3A_7 = arith.constant 2048 : i32
      %add3A_8 = arith.addi %mul3A_4, %add3A_7 : i32
      %dma_start3A = tpu.memref_slice %arg2[%mul3A_4] : memref<24576xf32, #tpu.memory_space<hbm>> -> memref<1024xf32, #tpu.memory_space<hbm>>
      %dma_start3A_9 = tpu.memref_slice %arg2[%mul3A_4] : memref<24576xf32, #tpu.memory_space<hbm>> -> memref<1024xf32, #tpu.memory_space<hbm>>
      tpu.enqueue_dma source(%dma_start3A_9 : memref<1024xf32, #tpu.memory_space<hbm>>) target(%arg7 : memref<1024xf32, #tpu.memory_space<vmem>>) target_semaphore(%arg13 : memref<!tpu.dma_semaphore, #tpu.memory_space<semaphore_mem>>)
      %dma_start3A_10 = tpu.memref_slice %arg2[%add3A_6] : memref<24576xf32, #tpu.memory_space<hbm>> -> memref<1024xf32, #tpu.memory_space<hbm>>
      %dma_start3A_11 = tpu.memref_slice %arg2[%add3A_6] : memref<24576xf32, #tpu.memory_space<hbm>> -> memref<1024xf32, #tpu.memory_space<hbm>>
      tpu.enqueue_dma source(%dma_start3A_11 : memref<1024xf32, #tpu.memory_space<hbm>>) target(%arg8 : memref<1024xf32, #tpu.memory_space<vmem>>) target_semaphore(%arg13 : memref<!tpu.dma_semaphore, #tpu.memory_space<semaphore_mem>>)
      %dma_start3A_12 = tpu.memref_slice %arg2[%add3A_8] : memref<24576xf32, #tpu.memory_space<hbm>> -> memref<1024xf32, #tpu.memory_space<hbm>>
      %dma_start3A_13 = tpu.memref_slice %arg2[%add3A_8] : memref<24576xf32, #tpu.memory_space<hbm>> -> memref<1024xf32, #tpu.memory_space<hbm>>
      tpu.enqueue_dma source(%dma_start3A_13 : memref<1024xf32, #tpu.memory_space<hbm>>) target(%arg9 : memref<1024xf32, #tpu.memory_space<vmem>>) target_semaphore(%arg13 : memref<!tpu.dma_semaphore, #tpu.memory_space<semaphore_mem>>)
      %mul3A_14 = arith.constant 1024 : i32
      %mul3A_15 = arith.muli %add3A, %mul3A_14 : i32
      "tpu.region"() ({
        %run_scoped3A = tpu.sem_alloc : memref<!tpu.dma_semaphore, #tpu.memory_space<semaphore_mem>>
        %dma_start3A_48 = tpu.memref_slice %arg3[%mul3A_15] : memref<8192xi32, #tpu.memory_space<hbm>> -> memref<1024xi32, #tpu.memory_space<hbm>>
        %dma_start3A_49 = tpu.memref_slice %arg3[%mul3A_15] : memref<8192xi32, #tpu.memory_space<hbm>> -> memref<1024xi32, #tpu.memory_space<hbm>>
        tpu.enqueue_dma source(%dma_start3A_49 : memref<1024xi32, #tpu.memory_space<hbm>>) target(%arg5 : memref<1024xi32, #tpu.memory_space<vmem>>) target_semaphore(%run_scoped3A : memref<!tpu.dma_semaphore, #tpu.memory_space<semaphore_mem>>)
        %dma_wait3A_50 = tpu.memref_slice %arg3[%mul3A_15] : memref<8192xi32, #tpu.memory_space<hbm>> -> memref<1024xi32, #tpu.memory_space<hbm>>
        %dma_wait3A_51 = tpu.memref_slice %arg3[%mul3A_15] : memref<8192xi32, #tpu.memory_space<hbm>> -> memref<1024xi32, #tpu.memory_space<hbm>>
        tpu.wait_dma2 semaphore(%run_scoped3A : memref<!tpu.dma_semaphore, #tpu.memory_space<semaphore_mem>>) src(%dma_wait3A_51 : memref<1024xi32, #tpu.memory_space<hbm>>) dst(%arg5 : memref<1024xi32, #tpu.memory_space<vmem>>)
        tpu.yield
      }) : () -> ()
      %while3A = arith.constant 0 : i32
      %while3A_16 = arith.constant 64 : i32
      %while3A_17 = arith.constant 0 : i32
      %while3A_18 = arith.subi %while3A_16, %while3A : i32
      %while3A_19 = arith.addi %while3A, %while3A_18 : i32
      %while3A_20 = arith.constant 1 : i32
      %while3A_21 = arith.divsi %while3A_18, %while3A_20 : i32
      %while3A_22 = arith.muli %while3A_21, %while3A_20 : i32
      %while3A_23 = arith.addi %while3A, %while3A_22 : i32
      %while3A_24 = arith.constant 1 : i32
      %while3A_25 = scf.for %while3A_48 = %while3A to %while3A_23 step %while3A_24 iter_args(%while3A_49 = %while3A_17) -> (i32)  : i32 {
        %mul3A_50 = arith.constant 16 : i32
        %mul3A_51 = arith.muli %while3A_48, %mul3A_50 : i32
        %get3A = arith.index_cast %mul3A_51 : i32 to index
        %get3A_52 = tpu.vector_load %arg5[%get3A] {strides = array<i32>} : memref<1024xi32, #tpu.memory_space<vmem>>, vector<16xi32>,
        %broadcast_in_dim3A = arith.constant true
        %broadcast_in_dim3A_53 = vector.broadcast %broadcast_in_dim3A : i1 to vector<16xi1>
        %masked_cumsum3A = tpu.scan <sum>, %get3A_52 masked %broadcast_in_dim3A_53 : vector<16xi32>, vector<16xi1> -> vector<16xi32>
        %sub3A = arith.constant 1 : i32
        %sub3A_54 = arith.subi %while3A_49, %sub3A : i32
        %add3A_55 = vector.broadcast %sub3A_54 : i32 to vector<16xi32>
        %add3A_56 = arith.addi %masked_cumsum3A, %add3A_55 : vector<16xi32>
        %iota3A = tpu.iota {dimensions = array<i32: 0>} : vector<16xi32>
        %mul3A_57 = arith.constant 16 : i32
        %mul3A_58 = arith.muli %while3A_48, %mul3A_57 : i32
        %add3A_59 = vector.broadcast %mul3A_58 : i32 to vector<16xi32>
        %add3A_60 = arith.addi %iota3A, %add3A_59 : vector<16xi32>
        %gt3A = arith.constant 0 : i32
        %gt3A_61 = vector.broadcast %gt3A : i32 to vector<16xi32>
        %gt3A_62 = arith.cmpi sgt, %get3A_52, %gt3A_61 : vector<16xi32>
        tpu.vector_store_idx %arg6[%add3A_56], %add3A_60 masked %gt3A_62 : memref<1024xi32, #tpu.memory_space<vmem>>[vector<16xi32>], vector<16xi32>, vector<16xi1>
        %reduce_sum3A = arith.constant true
        %reduce_sum3A_63 = vector.broadcast %reduce_sum3A : i1 to vector<16xi1>
        %reduce_sum3A_64 = tpu.scan <sum>, %get3A_52 masked %reduce_sum3A_63 : vector<16xi32>, vector<16xi1> -> vector<16xi32>
        %reduce_sum3A_65 = vector.extract %reduce_sum3A_64[15] : i32 from vector<16xi32>
        %add3A_66 = arith.addi %while3A_49, %reduce_sum3A_65 : i32
        scf.yield %add3A_66 : i32
      }
      %while3A_26 = arith.constant 1 : i32
      %while3A_27 = scf.for %while3A_48 = %while3A_23 to %while3A_19 step %while3A_26 iter_args(%while3A_49 = %while3A_25) -> (i32)  : i32 {
        %mul3A_50 = arith.constant 16 : i32
        %mul3A_51 = arith.muli %while3A_48, %mul3A_50 : i32
        %get3A = arith.index_cast %mul3A_51 : i32 to index
        %get3A_52 = tpu.vector_load %arg5[%get3A] {strides = array<i32>} : memref<1024xi32, #tpu.memory_space<vmem>>, vector<16xi32>,
        %broadcast_in_dim3A = arith.constant true
        %broadcast_in_dim3A_53 = vector.broadcast %broadcast_in_dim3A : i1 to vector<16xi1>
        %masked_cumsum3A = tpu.scan <sum>, %get3A_52 masked %broadcast_in_dim3A_53 : vector<16xi32>, vector<16xi1> -> vector<16xi32>
        %sub3A = arith.constant 1 : i32
        %sub3A_54 = arith.subi %while3A_49, %sub3A : i32
        %add3A_55 = vector.broadcast %sub3A_54 : i32 to vector<16xi32>
        %add3A_56 = arith.addi %masked_cumsum3A, %add3A_55 : vector<16xi32>
        %iota3A = tpu.iota {dimensions = array<i32: 0>} : vector<16xi32>
        %mul3A_57 = arith.constant 16 : i32
        %mul3A_58 = arith.muli %while3A_48, %mul3A_57 : i32
        %add3A_59 = vector.broadcast %mul3A_58 : i32 to vector<16xi32>
        %add3A_60 = arith.addi %iota3A, %add3A_59 : vector<16xi32>
        %gt3A = arith.constant 0 : i32
        %gt3A_61 = vector.broadcast %gt3A : i32 to vector<16xi32>
        %gt3A_62 = arith.cmpi sgt, %get3A_52, %gt3A_61 : vector<16xi32>
        tpu.vector_store_idx %arg6[%add3A_56], %add3A_60 masked %gt3A_62 : memref<1024xi32, #tpu.memory_space<vmem>>[vector<16xi32>], vector<16xi32>, vector<16xi1>
        %reduce_sum3A = arith.constant true
        %reduce_sum3A_63 = vector.broadcast %reduce_sum3A : i1 to vector<16xi1>
        %reduce_sum3A_64 = tpu.scan <sum>, %get3A_52 masked %reduce_sum3A_63 : vector<16xi32>, vector<16xi1> -> vector<16xi32>
        %reduce_sum3A_65 = vector.extract %reduce_sum3A_64[15] : i32 from vector<16xi32>
        %add3A_66 = arith.addi %while3A_49, %reduce_sum3A_65 : i32
        scf.yield %add3A_66 : i32
      }
      %dma_wait3A = tpu.memref_slice %arg2[%mul3A_4] : memref<24576xf32, #tpu.memory_space<hbm>> -> memref<1024xf32, #tpu.memory_space<hbm>>
      %dma_wait3A_28 = tpu.memref_slice %arg2[%mul3A_4] : memref<24576xf32, #tpu.memory_space<hbm>> -> memref<1024xf32, #tpu.memory_space<hbm>>
      tpu.wait_dma2 semaphore(%arg13 : memref<!tpu.dma_semaphore, #tpu.memory_space<semaphore_mem>>) src(%dma_wait3A_28 : memref<1024xf32, #tpu.memory_space<hbm>>) dst(%arg7 : memref<1024xf32, #tpu.memory_space<vmem>>)
      %dma_wait3A_29 = tpu.memref_slice %arg2[%add3A_6] : memref<24576xf32, #tpu.memory_space<hbm>> -> memref<1024xf32, #tpu.memory_space<hbm>>
      %dma_wait3A_30 = tpu.memref_slice %arg2[%add3A_6] : memref<24576xf32, #tpu.memory_space<hbm>> -> memref<1024xf32, #tpu.memory_space<hbm>>
      tpu.wait_dma2 semaphore(%arg13 : memref<!tpu.dma_semaphore, #tpu.memory_space<semaphore_mem>>) src(%dma_wait3A_30 : memref<1024xf32, #tpu.memory_space<hbm>>) dst(%arg8 : memref<1024xf32, #tpu.memory_space<vmem>>)
      %dma_wait3A_31 = tpu.memref_slice %arg2[%add3A_8] : memref<24576xf32, #tpu.memory_space<hbm>> -> memref<1024xf32, #tpu.memory_space<hbm>>
      %dma_wait3A_32 = tpu.memref_slice %arg2[%add3A_8] : memref<24576xf32, #tpu.memory_space<hbm>> -> memref<1024xf32, #tpu.memory_space<hbm>>
      tpu.wait_dma2 semaphore(%arg13 : memref<!tpu.dma_semaphore, #tpu.memory_space<semaphore_mem>>) src(%dma_wait3A_32 : memref<1024xf32, #tpu.memory_space<hbm>>) dst(%arg9 : memref<1024xf32, #tpu.memory_space<vmem>>)
      %while3A_33 = arith.constant 0 : i32
      %while3A_34 = arith.constant 0 : i32
      %while3A_35 = arith.constant 64 : i32
      %while3A_36 = arith.subi %while3A_35, %while3A_34 : i32
      %while3A_37 = arith.addi %while3A_34, %while3A_36 : i32
      %while3A_38 = arith.constant 1 : i32
      %while3A_39 = arith.divsi %while3A_36, %while3A_38 : i32
      %while3A_40 = arith.muli %while3A_39, %while3A_38 : i32
      %while3A_41 = arith.addi %while3A_34, %while3A_40 : i32
      %while3A_42 = arith.constant 1 : i32
      scf.for %while3A_48 = %while3A_34 to %while3A_41 step %while3A_42  : i32 {
        %iota3A = tpu.iota {dimensions = array<i32: 0>} : vector<16xi32>
        %mul3A_49 = arith.constant 16 : i32
        %mul3A_50 = arith.muli %while3A_48, %mul3A_49 : i32
        %add3A_51 = vector.broadcast %mul3A_50 : i32 to vector<16xi32>
        %add3A_52 = arith.addi %iota3A, %add3A_51 : vector<16xi32>
        %eq3A = arith.constant 0 : i32
        %eq3A_53 = arith.cmpi eq, %while3A_27, %eq3A : i32
        %jit3A = arith.constant 1 : i32
        %select_n3A = arith.select %eq3A_53, %jit3A, %while3A_27 : i32
        %rem3A = vector.broadcast %select_n3A : i32 to vector<16xi32>
        %rem3A_54 = arith.remsi %add3A_52, %rem3A : vector<16xi32>
        %ne3A = arith.constant 0 : i32
        %ne3A_55 = vector.broadcast %ne3A : i32 to vector<16xi32>
        %ne3A_56 = arith.cmpi ne, %rem3A_54, %ne3A_55 : vector<16xi32>
        %lt3A_57 = arith.constant 0 : i32
        %lt3A_58 = vector.broadcast %lt3A_57 : i32 to vector<16xi32>
        %lt3A_59 = arith.cmpi slt, %rem3A_54, %lt3A_58 : vector<16xi32>
        %lt3A_60 = arith.constant 0 : i32
        %lt3A_61 = arith.cmpi slt, %select_n3A, %lt3A_60 : i32
        %ne3A_62 = vector.broadcast %lt3A_61 : i1 to vector<16xi1>
        %ne3A_63 = vector.broadcast %ne3A_62 : vector<16xi1> to vector<16xi1>
        %ne3A_64 = arith.xori %lt3A_59, %ne3A_63 : vector<16xi1>
        %and3A = arith.andi %ne3A_64, %ne3A_56 : vector<16xi1>
        %add3A_65 = vector.broadcast %select_n3A : i32 to vector<16xi32>
        %add3A_66 = arith.addi %rem3A_54, %add3A_65 : vector<16xi32>
        %select_n3A_67 = arith.select %and3A, %add3A_66, %rem3A_54 : vector<16xi1>, vector<16xi32>
        %gather3A = tpu.vector_load_idx %arg6[%select_n3A_67] : memref<1024xi32, #tpu.memory_space<vmem>>[vector<16xi32>], vector<16xi32>,
        %mul3A_68 = arith.constant 16 : i32
        %mul3A_69 = arith.muli %while3A_48, %mul3A_68 : i32
        %gather3A_70 = tpu.vector_load_idx %arg7[%gather3A] : memref<1024xf32, #tpu.memory_space<vmem>>[vector<16xi32>], vector<16xf32>,
        %swap3A = arith.index_cast %mul3A_69 : i32 to index
        %swap3A_71 = tpu.vector_load %arg10[%swap3A] {strides = array<i32>} : memref<1024xf32, #tpu.memory_space<vmem>>, vector<16xf32>,
        tpu.vector_store %arg10[%swap3A], %gather3A_70 {strides = array<i32>} : memref<1024xf32, #tpu.memory_space<vmem>>, vector<16xf32>,
        %gather3A_72 = tpu.vector_load_idx %arg8[%gather3A] : memref<1024xf32, #tpu.memory_space<vmem>>[vector<16xi32>], vector<16xf32>,
        %swap3A_73 = arith.index_cast %mul3A_69 : i32 to index
        %swap3A_74 = tpu.vector_load %arg11[%swap3A_73] {strides = array<i32>} : memref<1024xf32, #tpu.memory_space<vmem>>, vector<16xf32>,
        tpu.vector_store %arg11[%swap3A_73], %gather3A_72 {strides = array<i32>} : memref<1024xf32, #tpu.memory_space<vmem>>, vector<16xf32>,
        %gather3A_75 = tpu.vector_load_idx %arg9[%gather3A] : memref<1024xf32, #tpu.memory_space<vmem>>[vector<16xi32>], vector<16xf32>,
        %swap3A_76 = arith.index_cast %mul3A_69 : i32 to index
        %swap3A_77 = tpu.vector_load %arg12[%swap3A_76] {strides = array<i32>} : memref<1024xf32, #tpu.memory_space<vmem>>, vector<16xf32>,
        tpu.vector_store %arg12[%swap3A_76], %gather3A_75 {strides = array<i32>} : memref<1024xf32, #tpu.memory_space<vmem>>, vector<16xf32>,
      }
      %while3A_43 = arith.constant 1 : i32
      scf.for %while3A_48 = %while3A_41 to %while3A_37 step %while3A_43  : i32 {
        %iota3A = tpu.iota {dimensions = array<i32: 0>} : vector<16xi32>
        %mul3A_49 = arith.constant 16 : i32
        %mul3A_50 = arith.muli %while3A_48, %mul3A_49 : i32
        %add3A_51 = vector.broadcast %mul3A_50 : i32 to vector<16xi32>
        %add3A_52 = arith.addi %iota3A, %add3A_51 : vector<16xi32>
        %eq3A = arith.constant 0 : i32
        %eq3A_53 = arith.cmpi eq, %while3A_27, %eq3A : i32
        %jit3A = arith.constant 1 : i32
        %select_n3A = arith.select %eq3A_53, %jit3A, %while3A_27 : i32
        %rem3A = vector.broadcast %select_n3A : i32 to vector<16xi32>
        %rem3A_54 = arith.remsi %add3A_52, %rem3A : vector<16xi32>
        %ne3A = arith.constant 0 : i32
        %ne3A_55 = vector.broadcast %ne3A : i32 to vector<16xi32>
        %ne3A_56 = arith.cmpi ne, %rem3A_54, %ne3A_55 : vector<16xi32>
        %lt3A_57 = arith.constant 0 : i32
        %lt3A_58 = vector.broadcast %lt3A_57 : i32 to vector<16xi32>
        %lt3A_59 = arith.cmpi slt, %rem3A_54, %lt3A_58 : vector<16xi32>
        %lt3A_60 = arith.constant 0 : i32
        %lt3A_61 = arith.cmpi slt, %select_n3A, %lt3A_60 : i32
        %ne3A_62 = vector.broadcast %lt3A_61 : i1 to vector<16xi1>
        %ne3A_63 = vector.broadcast %ne3A_62 : vector<16xi1> to vector<16xi1>
        %ne3A_64 = arith.xori %lt3A_59, %ne3A_63 : vector<16xi1>
        %and3A = arith.andi %ne3A_64, %ne3A_56 : vector<16xi1>
        %add3A_65 = vector.broadcast %select_n3A : i32 to vector<16xi32>
        %add3A_66 = arith.addi %rem3A_54, %add3A_65 : vector<16xi32>
        %select_n3A_67 = arith.select %and3A, %add3A_66, %rem3A_54 : vector<16xi1>, vector<16xi32>
        %gather3A = tpu.vector_load_idx %arg6[%select_n3A_67] : memref<1024xi32, #tpu.memory_space<vmem>>[vector<16xi32>], vector<16xi32>,
        %mul3A_68 = arith.constant 16 : i32
        %mul3A_69 = arith.muli %while3A_48, %mul3A_68 : i32
        %gather3A_70 = tpu.vector_load_idx %arg7[%gather3A] : memref<1024xf32, #tpu.memory_space<vmem>>[vector<16xi32>], vector<16xf32>,
        %swap3A = arith.index_cast %mul3A_69 : i32 to index
        %swap3A_71 = tpu.vector_load %arg10[%swap3A] {strides = array<i32>} : memref<1024xf32, #tpu.memory_space<vmem>>, vector<16xf32>,
        tpu.vector_store %arg10[%swap3A], %gather3A_70 {strides = array<i32>} : memref<1024xf32, #tpu.memory_space<vmem>>, vector<16xf32>,
        %gather3A_72 = tpu.vector_load_idx %arg8[%gather3A] : memref<1024xf32, #tpu.memory_space<vmem>>[vector<16xi32>], vector<16xf32>,
        %swap3A_73 = arith.index_cast %mul3A_69 : i32 to index
        %swap3A_74 = tpu.vector_load %arg11[%swap3A_73] {strides = array<i32>} : memref<1024xf32, #tpu.memory_space<vmem>>, vector<16xf32>,
        tpu.vector_store %arg11[%swap3A_73], %gather3A_72 {strides = array<i32>} : memref<1024xf32, #tpu.memory_space<vmem>>, vector<16xf32>,
        %gather3A_75 = tpu.vector_load_idx %arg9[%gather3A] : memref<1024xf32, #tpu.memory_space<vmem>>[vector<16xi32>], vector<16xf32>,
        %swap3A_76 = arith.index_cast %mul3A_69 : i32 to index
        %swap3A_77 = tpu.vector_load %arg12[%swap3A_76] {strides = array<i32>} : memref<1024xf32, #tpu.memory_space<vmem>>, vector<16xf32>,
        tpu.vector_store %arg12[%swap3A_76], %gather3A_75 {strides = array<i32>} : memref<1024xf32, #tpu.memory_space<vmem>>, vector<16xf32>,
      }
      "tpu.region"() ({
        %run_scoped3A = tpu.sem_alloc : memref<!tpu.dma_semaphore, #tpu.memory_space<semaphore_mem>>
        %dma_start3A_48 = tpu.memref_slice %arg4[%mul3A_4] : memref<24576xf32, #tpu.memory_space<hbm>> -> memref<1024xf32, #tpu.memory_space<hbm>>
        %dma_start3A_49 = tpu.memref_slice %arg4[%mul3A_4] : memref<24576xf32, #tpu.memory_space<hbm>> -> memref<1024xf32, #tpu.memory_space<hbm>>
        tpu.enqueue_dma source(%arg10 : memref<1024xf32, #tpu.memory_space<vmem>>) target(%dma_start3A_49 : memref<1024xf32, #tpu.memory_space<hbm>>) target_semaphore(%run_scoped3A : memref<!tpu.dma_semaphore, #tpu.memory_space<semaphore_mem>>)
        %dma_wait3A_50 = tpu.memref_slice %arg4[%mul3A_4] : memref<24576xf32, #tpu.memory_space<hbm>> -> memref<1024xf32, #tpu.memory_space<hbm>>
        %dma_wait3A_51 = tpu.memref_slice %arg4[%mul3A_4] : memref<24576xf32, #tpu.memory_space<hbm>> -> memref<1024xf32, #tpu.memory_space<hbm>>
        tpu.wait_dma2 semaphore(%run_scoped3A : memref<!tpu.dma_semaphore, #tpu.memory_space<semaphore_mem>>) src(%arg10 : memref<1024xf32, #tpu.memory_space<vmem>>) dst(%dma_wait3A_51 : memref<1024xf32, #tpu.memory_space<hbm>>)
        tpu.yield
      }) : () -> ()
      %add3A_44 = arith.constant 1024 : i32
      %add3A_45 = arith.addi %mul3A_4, %add3A_44 : i32
      "tpu.region"() ({
        %run_scoped3A = tpu.sem_alloc : memref<!tpu.dma_semaphore, #tpu.memory_space<semaphore_mem>>
        %dma_start3A_48 = tpu.memref_slice %arg4[%add3A_45] : memref<24576xf32, #tpu.memory_space<hbm>> -> memref<1024xf32, #tpu.memory_space<hbm>>
        %dma_start3A_49 = tpu.memref_slice %arg4[%add3A_45] : memref<24576xf32, #tpu.memory_space<hbm>> -> memref<1024xf32, #tpu.memory_space<hbm>>
        tpu.enqueue_dma source(%arg11 : memref<1024xf32, #tpu.memory_space<vmem>>) target(%dma_start3A_49 : memref<1024xf32, #tpu.memory_space<hbm>>) target_semaphore(%run_scoped3A : memref<!tpu.dma_semaphore, #tpu.memory_space<semaphore_mem>>)
        %dma_wait3A_50 = tpu.memref_slice %arg4[%add3A_45] : memref<24576xf32, #tpu.memory_space<hbm>> -> memref<1024xf32, #tpu.memory_space<hbm>>
        %dma_wait3A_51 = tpu.memref_slice %arg4[%add3A_45] : memref<24576xf32, #tpu.memory_space<hbm>> -> memref<1024xf32, #tpu.memory_space<hbm>>
        tpu.wait_dma2 semaphore(%run_scoped3A : memref<!tpu.dma_semaphore, #tpu.memory_space<semaphore_mem>>) src(%arg11 : memref<1024xf32, #tpu.memory_space<vmem>>) dst(%dma_wait3A_51 : memref<1024xf32, #tpu.memory_space<hbm>>)
        tpu.yield
      }) : () -> ()
      %add3A_46 = arith.constant 2048 : i32
      %add3A_47 = arith.addi %mul3A_4, %add3A_46 : i32
      "tpu.region"() ({
        %run_scoped3A = tpu.sem_alloc : memref<!tpu.dma_semaphore, #tpu.memory_space<semaphore_mem>>
        %dma_start3A_48 = tpu.memref_slice %arg4[%add3A_47] : memref<24576xf32, #tpu.memory_space<hbm>> -> memref<1024xf32, #tpu.memory_space<hbm>>
        %dma_start3A_49 = tpu.memref_slice %arg4[%add3A_47] : memref<24576xf32, #tpu.memory_space<hbm>> -> memref<1024xf32, #tpu.memory_space<hbm>>
        tpu.enqueue_dma source(%arg12 : memref<1024xf32, #tpu.memory_space<vmem>>) target(%dma_start3A_49 : memref<1024xf32, #tpu.memory_space<hbm>>) target_semaphore(%run_scoped3A : memref<!tpu.dma_semaphore, #tpu.memory_space<semaphore_mem>>)
        %dma_wait3A_50 = tpu.memref_slice %arg4[%add3A_47] : memref<24576xf32, #tpu.memory_space<hbm>> -> memref<1024xf32, #tpu.memory_space<hbm>>
        %dma_wait3A_51 = tpu.memref_slice %arg4[%add3A_47] : memref<24576xf32, #tpu.memory_space<hbm>> -> memref<1024xf32, #tpu.memory_space<hbm>>
        tpu.wait_dma2 semaphore(%run_scoped3A : memref<!tpu.dma_semaphore, #tpu.memory_space<semaphore_mem>>) src(%arg12 : memref<1024xf32, #tpu.memory_space<vmem>>) dst(%dma_wait3A_51 : memref<1024xf32, #tpu.memory_space<hbm>>)
        tpu.yield
      }) : () -> ()
    } else {
    }
    return
  }
}

module attributes {stable_mosaic.version = 14 : i64} {
  func.func @_knn_kernel(%arg0: i32, %arg1: i32, %arg2: memref<1x3x1024xf32, #tpu.memory_space<vmem>>, %arg3: memref<1x1024x3xf32, #tpu.memory_space<vmem>>, %arg4: memref<1x3x1024xf32, #tpu.memory_space<vmem>>, %arg5: memref<1x3x1024xf32, #tpu.memory_space<vmem>>) attributes {dimension_semantics = [#tpu.dimension_semantics<arbitrary>, #tpu.dimension_semantics<arbitrary>], iteration_bounds = array<i64: 8, 1>, scalar_prefetch = 0 : i64, scratch_operands = 0 : i64, tpu.core_type = #tpu.core_type<tc>, window_params = [{transform_indices = @transform_0, window_bounds = array<i64: 1, 3, 1024>}, {transform_indices = @transform_1, window_bounds = array<i64: 1, 1024, 3>}, {transform_indices = @transform_2, window_bounds = array<i64: 1, 3, 1024>}, {transform_indices = @transform_3, window_bounds = array<i64: 1, 3, 1024>}]} {
    %mul3A = arith.constant 1024 : i32
    %mul3A_0 = arith.muli %arg1, %mul3A : i32
    %get3A = arith.constant 0 : index
    %get3A_1 = arith.constant 0 : index
    %get3A_2 = arith.index_cast %mul3A_0 : i32 to index
    %get3A_3 = vector.load %arg2[%get3A, %get3A_1, %get3A_2] : memref<1x3x1024xf32, #tpu.memory_space<vmem>>, vector<1x3x1024xf32>
    %get3A_4 = vector.shape_cast %get3A_3 : vector<1x3x1024xf32> to vector<3x1024xf32>
    %get3A_5 = arith.constant 0 : index
    %get3A_6 = arith.constant 0 : index
    %get3A_7 = arith.constant 0 : index
    %get3A_8 = vector.load %arg2[%get3A_5, %get3A_6, %get3A_7] : memref<1x3x1024xf32, #tpu.memory_space<vmem>>, vector<1x3x1024xf32>
    %get3A_9 = vector.shape_cast %get3A_8 : vector<1x3x1024xf32> to vector<3x1024xf32>
    %get3A_10 = arith.constant 0 : index
    %get3A_11 = arith.constant 0 : index
    %get3A_12 = arith.constant 0 : index
    %get3A_13 = vector.load %arg3[%get3A_10, %get3A_11, %get3A_12] : memref<1x1024x3xf32, #tpu.memory_space<vmem>>, vector<1x1024x3xf32>
    %get3A_14 = vector.shape_cast %get3A_13 : vector<1x1024x3xf32> to vector<1024x3xf32>
    %dot_general3A = arith.constant dense<0.000000e+00> : vector<1024x1024xf32>
    %dot_general3A_15 = tpu.matmul %get3A_14, %get3A_4, %dot_general3A {dimension_numbers = #tpu.dot_dimension_numbers<[1], [0], [0], [1], [0, 0, 1, 1], [], []>, precision = #tpu.contract_precision<fp32>, transpose_lhs_hint = false} : vector<1024x3xf32>, vector<3x1024xf32>, vector<1024x1024xf32> -> vector<1024x1024xf32>
    %mul3A_16 = arith.mulf %get3A_14, %get3A_14 : vector<1024x3xf32>
    %reduce_sum3A = arith.constant dense<0.000000e+00> : vector<1024xf32>
    %reduce_sum3A_17 = vector.multi_reduction <add>, %mul3A_16, %reduce_sum3A [1] : vector<1024x3xf32> to vector<1024xf32>
    %broadcast_in_dim3A = vector.shape_cast %reduce_sum3A_17 : vector<1024xf32> to vector<1024x1xf32>
    %iota3A = tpu.iota {dimensions = array<i32: 0>} : vector<1024x1024xi32>
    %iota3A_18 = tpu.iota {dimensions = array<i32: 1>} : vector<1024x1024xi32>
    %add3A = vector.broadcast %mul3A_0 : i32 to vector<1024x1024xi32>
    %add3A_19 = arith.addi %iota3A_18, %add3A : vector<1024x1024xi32>
    %eq3A = arith.cmpi eq, %iota3A, %add3A_19 : vector<1024x1024xi32>
    %mul3A_20 = arith.constant 2.000000e+00 : f32
    %mul3A_21 = vector.broadcast %mul3A_20 : f32 to vector<1024x1024xf32>
    %mul3A_22 = arith.mulf %mul3A_21, %dot_general3A_15 : vector<1024x1024xf32>
    %sub3A = vector.broadcast %broadcast_in_dim3A : vector<1024x1xf32> to vector<1024x1024xf32>
    %sub3A_23 = arith.subf %sub3A, %mul3A_22 : vector<1024x1024xf32>
    %jit3A = arith.constant 0x7F800000 : f32
    %broadcast_in_dim3A_24 = vector.broadcast %jit3A : f32 to vector<1024x1024xf32>
    %select_n3A = arith.select %eq3A, %broadcast_in_dim3A_24, %sub3A_23 : vector<1024x1024xi1>, vector<1024x1024xf32>
    %argmin3A = tpu.reduce_index %select_n3A {axis = 0 : i32, kind = #tpu.reduction_kind<arg_min>} : vector<1024x1024xf32> -> vector<1024xi32>
    %broadcast_in_dim3A_25 = vector.shape_cast %argmin3A : vector<1024xi32> to vector<1x1024xi32>
    %eq3A_26 = vector.broadcast %broadcast_in_dim3A_25 : vector<1x1024xi32> to vector<1024x1024xi32>
    %eq3A_27 = arith.cmpi eq, %iota3A, %eq3A_26 : vector<1024x1024xi32>
    %jit3A_28 = arith.constant 0x7F800000 : f32
    %broadcast_in_dim3A_29 = vector.broadcast %jit3A_28 : f32 to vector<1024x1024xf32>
    %select_n3A_30 = arith.select %eq3A_27, %broadcast_in_dim3A_29, %select_n3A : vector<1024x1024xi1>, vector<1024x1024xf32>
    %argmin3A_31 = tpu.reduce_index %select_n3A_30 {axis = 0 : i32, kind = #tpu.reduction_kind<arg_min>} : vector<1024x1024xf32> -> vector<1024xi32>
    %broadcast_in_dim3A_32 = vector.shape_cast %argmin3A_31 : vector<1024xi32> to vector<1x1024xi32>
    %eq3A_33 = vector.broadcast %broadcast_in_dim3A_32 : vector<1x1024xi32> to vector<1024x1024xi32>
    %eq3A_34 = arith.cmpi eq, %iota3A, %eq3A_33 : vector<1024x1024xi32>
    %convert_element_type3A = arith.truncf %get3A_9 : vector<3x1024xf32> to vector<3x1024xbf16>
    %convert_element_type3A_35 = arith.extf %convert_element_type3A : vector<3x1024xbf16> to vector<3x1024xf32>
    %sub3A_36 = arith.subf %get3A_9, %convert_element_type3A_35 : vector<3x1024xf32>
    %convert_element_type3A_37 = arith.truncf %sub3A_36 : vector<3x1024xf32> to vector<3x1024xbf16>
    %convert_element_type3A_38 = arith.extf %convert_element_type3A_37 : vector<3x1024xbf16> to vector<3x1024xf32>
    %sub3A_39 = arith.subf %sub3A_36, %convert_element_type3A_38 : vector<3x1024xf32>
    %convert_element_type3A_40 = arith.truncf %sub3A_39 : vector<3x1024xf32> to vector<3x1024xbf16>
    %concatenate3A = tpu.concatenate %convert_element_type3A, %convert_element_type3A_37, %convert_element_type3A_40 in 0 : vector<3x1024xbf16>, vector<3x1024xbf16>, vector<3x1024xbf16> -> vector<9x1024xbf16>
    %convert_element_type3A_41 = arith.extui %eq3A_27 : vector<1024x1024xi1> to vector<1024x1024xi32>
    %convert_element_type3A_42 = arith.sitofp %convert_element_type3A_41 : vector<1024x1024xi32> to vector<1024x1024xf32>
    %convert_element_type3A_43 = arith.truncf %convert_element_type3A_42 : vector<1024x1024xf32> to vector<1024x1024xbf16>
    %dot_general3A_44 = arith.constant dense<0.000000e+00> : vector<9x1024xf32>
    %dot_general3A_45 = tpu.matmul %concatenate3A, %convert_element_type3A_43, %dot_general3A_44 {dimension_numbers = #tpu.dot_dimension_numbers<[1], [0], [0], [1], [0, 0, 1, 1], [], []>, transpose_lhs_hint = false} : vector<9x1024xbf16>, vector<1024x1024xbf16>, vector<9x1024xf32> -> vector<9x1024xf32>
    %slice3A = vector.extract_strided_slice %dot_general3A_45 {offsets = [0, 0], sizes = [3, 1024], strides = [1, 1]} : vector<9x1024xf32> to vector<3x1024xf32>
    %slice3A_46 = vector.extract_strided_slice %dot_general3A_45 {offsets = [3, 0], sizes = [3, 1024], strides = [1, 1]} : vector<9x1024xf32> to vector<3x1024xf32>
    %add3A_47 = arith.addf %slice3A, %slice3A_46 : vector<3x1024xf32>
    %slice3A_48 = vector.extract_strided_slice %dot_general3A_45 {offsets = [6, 0], sizes = [3, 1024], strides = [1, 1]} : vector<9x1024xf32> to vector<3x1024xf32>
    %add3A_49 = arith.addf %add3A_47, %slice3A_48 : vector<3x1024xf32>
    %swap3A = arith.constant 0 : index
    %swap3A_50 = arith.constant 0 : index
    %swap3A_51 = arith.constant 0 : index
    %swap3A_52 = vector.load %arg4[%swap3A, %swap3A_50, %swap3A_51] : memref<1x3x1024xf32, #tpu.memory_space<vmem>>, vector<1x3x1024xf32>
    %swap3A_53 = vector.shape_cast %swap3A_52 : vector<1x3x1024xf32> to vector<3x1024xf32>
    %swap3A_54 = vector.shape_cast %add3A_49 : vector<3x1024xf32> to vector<1x3x1024xf32>
    tpu.vector_store %arg4[%swap3A, %swap3A_50, %swap3A_51], %swap3A_54 {strides = array<i32>} : memref<1x3x1024xf32, #tpu.memory_space<vmem>>, vector<1x3x1024xf32>,
    %convert_element_type3A_55 = arith.extui %eq3A_34 : vector<1024x1024xi1> to vector<1024x1024xi32>
    %convert_element_type3A_56 = arith.sitofp %convert_element_type3A_55 : vector<1024x1024xi32> to vector<1024x1024xf32>
    %convert_element_type3A_57 = arith.truncf %convert_element_type3A_56 : vector<1024x1024xf32> to vector<1024x1024xbf16>
    %dot_general3A_58 = arith.constant dense<0.000000e+00> : vector<9x1024xf32>
    %dot_general3A_59 = tpu.matmul %concatenate3A, %convert_element_type3A_57, %dot_general3A_58 {dimension_numbers = #tpu.dot_dimension_numbers<[1], [0], [0], [1], [0, 0, 1, 1], [], []>, transpose_lhs_hint = false} : vector<9x1024xbf16>, vector<1024x1024xbf16>, vector<9x1024xf32> -> vector<9x1024xf32>
    %slice3A_60 = vector.extract_strided_slice %dot_general3A_59 {offsets = [0, 0], sizes = [3, 1024], strides = [1, 1]} : vector<9x1024xf32> to vector<3x1024xf32>
    %slice3A_61 = vector.extract_strided_slice %dot_general3A_59 {offsets = [3, 0], sizes = [3, 1024], strides = [1, 1]} : vector<9x1024xf32> to vector<3x1024xf32>
    %add3A_62 = arith.addf %slice3A_60, %slice3A_61 : vector<3x1024xf32>
    %slice3A_63 = vector.extract_strided_slice %dot_general3A_59 {offsets = [6, 0], sizes = [3, 1024], strides = [1, 1]} : vector<9x1024xf32> to vector<3x1024xf32>
    %add3A_64 = arith.addf %add3A_62, %slice3A_63 : vector<3x1024xf32>
    %swap3A_65 = arith.constant 0 : index
    %swap3A_66 = arith.constant 0 : index
    %swap3A_67 = arith.constant 0 : index
    %swap3A_68 = vector.load %arg5[%swap3A_65, %swap3A_66, %swap3A_67] : memref<1x3x1024xf32, #tpu.memory_space<vmem>>, vector<1x3x1024xf32>
    %swap3A_69 = vector.shape_cast %swap3A_68 : vector<1x3x1024xf32> to vector<3x1024xf32>
    %swap3A_70 = vector.shape_cast %add3A_64 : vector<3x1024xf32> to vector<1x3x1024xf32>
    tpu.vector_store %arg5[%swap3A_65, %swap3A_66, %swap3A_67], %swap3A_70 {strides = array<i32>} : memref<1x3x1024xf32, #tpu.memory_space<vmem>>, vector<1x3x1024xf32>,
    return
  }
  func.func @transform_0(%arg0: i32, %arg1: i32) -> (i32, i32, i32) {
    %c0_i32 = arith.constant 0 : i32
    %c0_i32_0 = arith.constant 0 : i32
    %c0_i32_1 = arith.constant 0 : i32
    return %arg0, %c0_i32, %c0_i32_0 : i32, i32, i32
  }
  func.func @transform_1(%arg0: i32, %arg1: i32) -> (i32, i32, i32) {
    %c0_i32 = arith.constant 0 : i32
    %c0_i32_0 = arith.constant 0 : i32
    %c0_i32_1 = arith.constant 0 : i32
    return %arg0, %c0_i32, %c0_i32_0 : i32, i32, i32
  }
  func.func @transform_2(%arg0: i32, %arg1: i32) -> (i32, i32, i32) {
    %c0_i32 = arith.constant 0 : i32
    %c0_i32_0 = arith.constant 0 : i32
    return %arg0, %c0_i32, %arg1 : i32, i32, i32
  }
  func.func @transform_3(%arg0: i32, %arg1: i32) -> (i32, i32, i32) {
    %c0_i32 = arith.constant 0 : i32
    %c0_i32_0 = arith.constant 0 : i32
    return %arg0, %c0_i32, %arg1 : i32, i32, i32
  }
}

</mosaic_0001>

<sc_bundles>
// kernel: kernel.4.cloned.1.call-start
scs
__scs_entry_jumppad:
0x0: {  	(pc) =	sbr.rel $0x88, $3  }
0x1: {  	(tag) =	ssettag $0x0;
	lr =	simm.s32 $0x1  }
0x2: {  	[smem:$0x3FA0] =	sst lr;
	_ =	strace $0xD0000000  }
0x3: {  	_ = 	snop  }
0x4: {  	_ = 	snop  }
0x5: {  	_ = 	snop  }
0x6: {  	_ = 	snop  }
0x7: {  	_ = 	snop  }
__scs_overlays_trampoline_lowered:
0x8: {  	[smem:$0x3FAF] =	sst s0  }
0x9: {  	[smem:$0x3FB0] =	sst s1  }
0xa: {  	[smem:$0x3FB1] =	sst s2  }
0xb: {  	[smem:$0x3FB2] =	sst s3  }
0xc: {  	[smem:$0x3FB3] =	sst s4  }
0xd: {  	[smem:$0x3FB4] =	sst s5  }
0xe: {  	[smem:$0x3FB5] =	sst s6  }
0xf: {  	[smem:$0x3FB6] =	sst s7  }
0x10: {  	[smem:$0x3FB7] =	sst s8  }
0x11: {  	[smem:$0x3FB8] =	sst s9;
	s0 =	simm.s32 @!p0 $0x0  }
0x12: {  	s1 =	sld [smem:$0x3F9E];
	s0 =	simm.s32 @p0 $0x1  }
0x13: {  	[smem:$0x3FB9] =	sst s0;
	s0 =	simm.s32 @!p1 $0x0  }
0x14: {  	s2 =	sld [smem:$0x3F9D];
	s0 =	simm.s32 @p1 $0x1  }
0x15: {  	[smem:$0x3FBA] =	sst s0;
	s0 =	simm.s32 @!p2 $0x0  }
0x16: {  	s3 =	sld [smem:$0x3FDB];
	s0 =	simm.s32 @p2 $0x1  }
0x17: {  	s4 =	simm.s32 $0x1BF5;
	[smem:$0x3FBC] =	sst s0  }
0x18: {  	s0 =	sld [smem:$0x3F9F];
	_ =	swait.ge [sflag:s4], $0x0  }
0x19: {  	s7 =	sld [smem:$0x3FA0]  }
0x1a: {  	s8 =	sadd.s32 $0xFFFFE003, lr  }
0x1b: {  	s9 =	sadd.s32 $0xFFFFFEF7, lr;
	s5 =	simm.s32 $0xFFFFFFFF;
	p2 =	slt.u32 s8, $0xFFFFF086  }
0x1c: {  	p1 =	slt.u32 s9, $0xF7A;
	s5 =	simm.s32 @!p2 $0x0  }
0x1d: {  	s5 =	simm.s32 @p1 $0x1;
	p0 =	seq.s32 s7, s2  }
0x1e: {  	s7 =	smul.u32 @!p0 $0xF7A, s2;
	p2 =	seq.s32 @!p0 s5, $0x0  }
0x1f: {  	s9 =	smul.u32 $0xF7A, s1;
	s8 =	simm.s32 @!p0 $0x1BF5;
	p2 =	por !p2, p0  }
0x20: {  	[sflag:s8] =	ssyncset.s32 @!p0 $0xFFFFF086;
	s6 =	sadd.s32 @!p0 s3, s7;
	s7 =	simm.s32 @!p0 $0x108  }
0x21: {  	s3 =	sadd.s32 s3, s9;
	s6 =	sadd.s32 @!p0 $0x88, s6;
	s7 =	simm.s32 @p2 $0x1082  }
0x22: {  	[simem:s7], [sflag:s8] =	dma.local @!p0 [hbm:s6], $0xF7A  }
0x23: {  	s9 =	sor.u32 $0xD0000000, s2;
	s6 =	simm.s32 $0x108;
	_ =	swait.ge @!p0 [sflag:s8], $0x0  }
0x24: {  	s3 =	sadd.s32 $0x88, s3;
	s6 =	simm.s32 @!p1 $0x1082;
	[sflag:s4] =	ssyncset.s32 $0xFFFFF086  }
0x25: {  	[simem:s6], [sflag:s4] =	dma.local [hbm:s3], $0xF7A  }
0x26: {  	[smem:$0x3FA0] =	sst s1;
	(tag) =	ssettag s2;
	_ =	strace s9  }
0x27: {  	s1 =	sld [smem:$0x3FB0]  }
0x28: {  	s2 =	sld [smem:$0x3FB1]  }
0x29: {  	s4 =	sld [smem:$0x3FB3]  }
0x2a: {  	p0 =	seq.s32 s5, $0x0;
	s5 =	sld [smem:$0x3FB4]  }
0x2b: {  	s6 =	sld [smem:$0x3FB5]  }
0x2c: {  	s7 =	sld [smem:$0x3FB6]  }
0x2d: {  	s3 =	simm.s32 $0x108;
	s8 =	sld [smem:$0x3FB7]  }
0x2e: {  	s3 =	simm.s32 @!p0 $0x1082;
	s9 =	sld [smem:$0x3FB8]  }
0x2f: {  	lr =	sadd.s32 s0, s3;
	s0 =	sld [smem:$0x3FAF]  }
0x30: {  	s3 =	sld [smem:$0x3FB2]  }
0x31: {  	[smem:$0x3FBB] =	sst s10  }
0x32: {  	s10 =	sld [smem:$0x3FB9];
	_ =	sdelay $0x3  }
0x33: {  	p0 =	seq.s32 s10, $0x1;
	s10 =	sld [smem:$0x3FBB];
	_ =	sdelay $0x3  }
0x34: {  	[smem:$0x3FBB] =	sst s10  }
0x35: {  	s10 =	sld [smem:$0x3FBA];
	_ =	sdelay $0x3  }
0x36: {  	p1 =	seq.s32 s10, $0x1;
	s10 =	sld [smem:$0x3FBB];
	_ =	sdelay $0x3  }
0x37: {  	[smem:$0x3FBB] =	sst s10  }
0x38: {  	s10 =	sld [smem:$0x3FBC]  }
0x39: {  	_ = 	snop;
	(pc) =	sbr.ind lr, $3  }
0x3a: {  	_ = 	snop  }
0x3b: {  	_ = 	snop  }
0x3c: {  	p2 =	seq.s32 s10, $0x1;
	s10 =	sld [smem:$0x3FBB]  }
0x3d: {  	_ =	shalt  }
0x3e: {  	_ =	shalt  }
0x3f: {  	_ =	shalt  }
0x40: {  	_ =	shalt  }
0x41: {  	_ =	shalt  }
0x42: {  	_ =	shalt  }
0x43: {  	_ =	shalt  }
0x44: {  	_ =	shalt  }
0x45: {  	_ =	shalt  }
0x46: {  	_ =	shalt  }
0x47: {  	_ =	shalt  }
0x48: {  	_ =	shalt  }
0x49: {  	_ =	shalt  }
0x4a: {  	_ =	shalt  }
0x4b: {  	_ =	shalt  }
0x4c: {  	_ =	shalt  }
0x4d: {  	_ =	shalt  }
0x4e: {  	_ =	shalt  }
0x4f: {  	_ =	shalt  }
0x50: {  	_ =	shalt  }
0x51: {  	_ =	shalt  }
0x52: {  	_ =	shalt  }
0x53: {  	_ =	shalt  }
0x54: {  	_ =	shalt  }
0x55: {  	_ =	shalt  }
0x56: {  	_ =	shalt  }
0x57: {  	_ =	shalt  }
0x58: {  	_ =	shalt  }
0x59: {  	_ =	shalt  }
0x5a: {  	_ =	shalt  }
0x5b: {  	_ =	shalt  }
0x5c: {  	_ =	shalt  }
0x5d: {  	_ =	shalt  }
0x5e: {  	_ =	shalt  }
0x5f: {  	_ =	shalt  }
0x60: {  	_ =	shalt  }
0x61: {  	_ =	shalt  }
0x62: {  	_ =	shalt  }
0x63: {  	_ =	shalt  }
0x64: {  	_ =	shalt  }
0x65: {  	_ =	shalt  }
0x66: {  	_ =	shalt  }
0x67: {  	_ =	shalt  }
0x68: {  	_ =	shalt  }
0x69: {  	_ =	shalt  }
0x6a: {  	_ =	shalt  }
0x6b: {  	_ =	shalt  }
0x6c: {  	_ =	shalt  }
0x6d: {  	_ =	shalt  }
0x6e: {  	_ =	shalt  }
0x6f: {  	_ =	shalt  }
0x70: {  	_ =	shalt  }
0x71: {  	_ =	shalt  }
0x72: {  	_ =	shalt  }
0x73: {  	_ =	shalt  }
0x74: {  	_ =	shalt  }
0x75: {  	_ =	shalt  }
0x76: {  	_ =	shalt  }
0x77: {  	_ =	shalt  }
0x78: {  	_ =	shalt  }
0x79: {  	_ =	shalt  }
0x7a: {  	_ =	shalt  }
0x7b: {  	_ =	shalt  }
0x7c: {  	_ =	shalt  }
0x7d: {  	_ =	shalt  }
0x7e: {  	_ =	shalt  }
0x7f: {  	_ =	shalt  }
0x80: {  	_ =	shalt  }
0x81: {  	_ =	shalt  }
0x82: {  	_ =	shalt  }
0x83: {  	_ =	shalt  }
0x84: {  	_ =	shalt  }
0x85: {  	_ =	shalt  }
0x86: {  	_ =	shalt  }
0x87: {  	_ =	shalt  }
.Lfunc_end0:
.L_simem_size_0:
called_computation_lowered:
.L_overlay_start_0:
0x88: {  	s2 =	sld [smem:$0x3FD9]  }
0x89: {  	s3 =	sld [smem:$0x3FFE];
	_ =	sdelay $0x1  }
0x8a: {  	s1 =	srdreg.scid  }
0x8b: {  	s0 =	sand.u32 $0x1, s1  }
0x8c: {  	s17 =	sshll.u32 s0, $0xA;
	s2 =	sadd.s32 s3, s2  }
0x8d: {  	s2 =	sadd.s32 s2, s17  }
0x8e: {  	[smem:$0x3FC7] =	sst s2  }
0x8f: {  	_ = 	snop  }
0x90: {  	s2 =	sld [smem:$0x3FD0];
	(tm) =	ssettm $0x1  }
0x91: {  	s18 =	sld [smem:$0x3FFB];
	_ =	sdelay $0x3  }
0x92: {  	_ =	strace s18  }
0x93: {  	s3 =	sld [smem:$0x3FFC];
	_ =	sdelay $0x3  }
0x94: {  	_ =	strace s3  }
0x95: {  	s3 =	sld [smem:$0x3FFD];
	_ =	sdelay $0x3  }
0x96: {  	_ =	strace s3  }
0x97: {  	_ =	strace $0x8FFFFFFF  }
0x98: {  	s19 =	sld [smem:$0x3FDB];
	_ =	sdelay $0x1  }
0x99: {  	s4 =	simm.s32 $_scs_section_size  }
0x9a: {  	s5 =	simm.s32 $_size__tile_overlayer_lowered;
	s6 =	simm.s32 $_tile_overlayer_lowered  }
0x9b: {  	s22 =	simm.s32 $0x1BFF;
	s21 =	sshll.u32 s6, $0x1;
	s3 =	sadd.s32 s4, s19  }
0x9c: {  	s7 =	simm.s32 $0x0;
	s20 =	sshll.u32 s5, $0x1;
	s5 =	sadd.s32 s21, s3  }
0x9d: {  	[timem:s7], [sflag:s22] =	dma.local [hbm:s5], s20  }
0x9e: {  	_ =	swait.ge [sflag:s22], s20  }
0x9f: {  	s4 =	ssub.s32 $0x0, s20;
	[sflag:s22] =	ssyncset.done $0x0  }
0xa0: {  	[sflag:s22] =	ssyncadd.s32 s4;
	_ =	sdelay $0x1  }
0xa1: {  	s23 =	simm.s32 $0x1B8B  }
0xa2: {  	_ =	swait.ge [sflag:s23], $0x1  }
0xa3: {  	[sflag:s23] =	ssyncset.done $0x0  }
0xa4: {  	s25 =	simm.s32 $0x1B8E;
	s24 =	sld [smem:$0x3FFE];
	[sflag:s23] =	ssyncadd.s32 $0xFFFFFFFF  }
0xa5: {  	s26 =	simm.s32 $execute0_lowered;
	[smem:$0x3FD2] =	sst s25  }
0xa6: {  	s5 =	sshll.u32 s26, $0x1;
	_ =	strace $0x80000046;
	[dreg:$0x1] =	wrdreg $0xFFFFFFFF  }
0xa7: {  	s28 =	simm.s32 $_size_execute0_lowered;
	s3 =	sadd.s32 s3, s5;
	[dreg:$0x0] =	wrdreg $0x0  }
0xa8: {  	s5 =	sshll.u32 s28, $0x1;
	[dreg:$0x2] =	wrdreg s3  }
0xa9: {  	[dreg:$0x3] =	wrdreg s5  }
0xaa: {  	[dreg:$0x4] =	wrdreg $0xC0  }
0xab: {  	_ =	task [dreg:s7], $0x5FFFF  }
0xac: {  	[dreg:$0x1] =	wrdreg $0xFFFFFFFF  }
0xad: {  	[dreg:$0x0] =	wrdreg $0x60  }
0xae: {  	[dreg:$0x2] =	wrdreg s2  }
0xaf: {  	[dreg:$0x3] =	wrdreg s24  }
0xb0: {  	[dreg:$0x4] =	wrdreg $0x9  }
0xb1: {  	_ =	task.clear_ibuf [dreg:s7], $0x5FFFF;
	_ =	strace $0x90000046  }
0xb2: {  	s29 =	simm.s32 $0x9;
	_ =	strace $0x80000048  }
0xb3: {  	_ =	swait.ge [sflag:s29], $0x1  }
0xb4: {  	[sflag:s29] =	ssyncadd.s32 $0xFFFFFFFF  }
0xb5: {  	_ =	strace $0x90000048  }
0xb6: {  	_ =	sfence  }
0xb7: {  	s30 =	sld [smem:$0x0];
	_ =	sdelay $0x2  }
0xb8: {  	s31 =	sshll.u32 s1, $0xD;
	s1 =	sshrl.u32 s1, $0x2  }
0xb9: {  	s3 =	sand.u32 $0x4000, s31;
	s1 =	sadd.s32 s1, s30  }
0xba: {  	s0 =	sor.u32 s3, s0;
	s1 =	sshll.u32 s1, $0x11  }
0xbb: {  	s0 =	sor.u32 s1, s0  }
0xbc: {  	s0 =	sadd.s32 $0x8F2B, s0  }
0xbd: {  	[sflag:s0] =	ssyncadd.remote.s32 $0x1  }
0xbe: {  	_ =	sfence.sel $0xFFFF  }
0xbf: {  	[dreg:$0x0] =	wrdreg $0xFFFFFFFF;
	(pc) =	sbr.abs _section_cstart, $3  }
0xc0: {  	[dreg:$0x1] =	wrdreg $0xFFFFFFFF  }
0xc1: {  	_ =	task.clear_ibuf [dreg:s7], $0x2FFFF;
	_ =	strace $0x9FFFFFFF  }
0xc2: {  	(tm) =	ssettm $0x7FFFFFFF  }
0xc3: {  	_ =	shalt  }
tec
execute0_lowered:
.L_overlay_start_1:
0x0: {  	(tag) =	ssettag $0x1  }
0x1: {  	s2 =	stileid.u32  }
0x2: {  	p0 =	sgt.u32 s2, $0x3  }
.Ltmp0:
0x3: {  	_ = 	snop;
	(pc) =	sbr.rel @p0 .LBB2_7-.Ltmp0, $4  }
0x4: {  	_ = 	snop  }
0x5: {  	s0 =	rddreg [dreg:$0x0];
	s3 =	simm.s32 $0x0  }
0x6: {  	[smem:$0x7FF] =	sst s3  }
0x7: {  	s1 =	rddreg [dreg:$0x1];
	_ =	strace $0x80000047  }
0x8: {  	s2 =	srdreg.scid;
	s3 =	stileid.u32  }
0x9: {  	s2 =	sand.u32 $0x1, s2;
	s3 =	sshll.u32 s3, $0x1  }
0xa: {  	s3 =	sor.u32 s2, s3;
	s2 =	ssub.s32 $0x2, s2  }
0xb: {  	s4 =	smul.u32 $0xC00, s3;
	s22 =	sshrl.u32 s2, $0x1;
	s3 =	sshll.u32 s3, $0x7  }
0xc: {  	s5 =	sadd.s32 $0x400, s1;
	s2 =	ssub.s32 s2, s22;
	s23 =	sadd.s32 s1, s3  }
0xd: {  	s4 =	sshrl.u32 s4, $0x3;
	[dreg:$0x1e] =	wrdreg s23;
	s28 =	smax.u32 s2, $0x1  }
0xe: {  	s29 =	simm.s32 $0x800;
	s8 =	sadd.s32 s5, s4;
	[smem:$0x7FD] =	sst s28  }
0xf: {  	v0 =	vlaneseq.u32;
	s6 =	sadd.s32 $0x80, s4;
	s26 =	sadd.s32 s0, s4;
	[dreg:$0x1b] =	wrdreg s8  }
0x10: {  	vm2 =	vcmask $0x300;
	vm3 =	vcmask $0x704;
	vm4 =	vcmask $0xB08;
	s7 =	sadd.s32 $0x100, s4;
	s21 =	sadd.s32 s5, s6;
	[smem:$0x7FC] =	sst s26  }
0x11: {  	vm5 =	vcmask $0xF0C;
	vm6 =	vcmask $0x1310;
	vm7 =	vcmask $0x1714;
	s30 =	simm.s32 $0xC00;
	s5 =	sadd.s32 s5, s7;
	[dreg:$0x1c] =	wrdreg s21  }
0x12: {  	s31 =	simm.s32 $0x1000;
	vm8 =	vcmask $0x1B18;
	vm9 =	vcmask $0x1F1C;
	vm10 =	vcmask $0x2320;
	s24 =	sadd.s32 s0, s7;
	[dreg:$0x1d] =	wrdreg s5  }
0x13: {  	vm11 =	vcmask $0x2724;
	vm12 =	vcmask $0x2B28;
	vm13 =	vcmask $0x2F2C;
	s1 =	simm.s32 $0x0;
	s25 =	sadd.s32 s0, s6;
	[dreg:$0x1f] =	wrdreg s24  }
0x14: {  	vm14 =	vcmask $0x3330;
	vm15 =	vcmask $0x3734;
	vm1 =	vcmask $0x3B38;
	s2 =	simm.s32 $0x2;
	[smem:$0x7FB] =	sst s25;
	s5 =	simm.s32 $0x400  }
.LBB2_2:
0x15: {  	s23 =	sld [smem:$0x7FC];
	_ =	sdelay $0x1  }
0x16: {  	s0 =	simm.s32 $0x0;
	s24 =	sld [smem:$0x7FB]  }
0x17: {  	[tilespmem:s29], [sflag:$0x1] =	stream.linear.gather [hbm4b:s23+s0], $0x400, $0x38;
	[tilespmem:$0x2000] =	vst v63  }
0x18: {  	[smem:$0x7FA] =	sst s1  }
0x19: {  	[tilespmem:s30], [sflag:$0x1] =	stream.linear.gather [hbm4b:s24+s0], $0x400, $0x38;
	[tilespmem:$0x2000] =	vst v63  }
0x1a: {  	s25 =	rddreg [dreg:$0x1f]  }
0x1b: {  	[tilespmem:s31], [sflag:$0x1] =	stream.linear.gather [hbm4b:s25+s0], $0x400, $0x38;
	[tilespmem:$0x2000] =	vst v63  }
0x1c: {  	s26 =	rddreg [dreg:$0x1e]  }
0x1d: {  	[tilespmem:s0], [sflag:$0x2] =	stream.linear.gather [hbm4b:s26+s0], $0x400, $0x38;
	[tilespmem:$0x2000] =	vst v63  }
0x1e: {  	_ =	swait.ge [sflag:s2], $0x400  }
0x1f: {  	[sflag:s2] =	ssyncset.done $0x0  }
0x20: {  	[sflag:s2] =	ssyncadd.s32 $0xFFFFFC00  }
0x21: {  	v1 =	vld [tilespmem:s0+$0x0];
	_ =	sdelay $0x4  }
0x22: {  	(xrf0) =	vadd.scan.msk.s32 $0xffff, v1;
	_ =	sdelay $0x5  }
0x23: {  	s28 =	simm.s32 $0xFFFFFFFF;
	vm0 =	vgt.s32 v1, $0x0;
	v1, _, _ =	vpop (xrf0)  }
0x24: {  	v2 =	vadd.s32 s28, v1;
	(v2sf) =	vpush v1, $0xF;
	_ =	sdelay $0x3  }
0x25: {  	v3 =	vor.u32 s0, v0  }
0x26: {  	s1 =	simm.s32 $0x10;
	[tilespmem:v2+s5+$0x0] =	vst.idx.msk vm0, v3  }
0x27: {  	s3 =	simm.s32 $0x10;
	s2 =	simm.s32 $0x20;
	v1 =	vld [tilespmem:s1+$0x0]  }
.LBB2_3:
0x28: {  	p0 =	sne.s32 s2, $0x3F0;
	_ =	sdelay $0x3  }
0x29: {  	vm0 =	vgt.s32 v1, $0x0;
	(xrf0) =	vadd.scan.msk.s32 $0xffff, v1;
	_ =	sdelay $0x3  }
0x2a: {  	s4 =	spop (v2sf)  }
0x2b: {  	s0 =	sadd.s32 s0, s4  }
0x2c: {  	s4 =	sadd.s32 $0xFFFFFFFF, s0;
	v1, _, _ =	vpop (xrf0)  }
0x2d: {  	v2 =	vadd.s32 s4, v1;
	(v2sf) =	vpush v1, $0xF;
	_ =	sdelay $0x1  }
.Ltmp1:
0x2e: {  	(pc) =	sbr.rel @p0 .LBB2_3-.Ltmp1, $4  }
0x2f: {  	_ = 	snop  }
0x30: {  	v1 =	vor.u32 s1, v0;
	s1 =	smov.u32 s2  }
0x31: {  	s3 =	sadd.s32 $0x10, s3;
	[tilespmem:v2+s5+$0x0] =	vst.idx.msk vm0, v1  }
0x32: {  	s2 =	sadd.s32 $0x10, s2;
	v1 =	vld [tilespmem:s3+$0x0]  }
0x33: {  	_ =	sdelay $0x3  }
0x34: {  	(xrf0) =	vadd.scan.msk.s32 $0xffff, v1;
	_ =	sdelay $0x5  }
0x35: {  	v2, _, _ =	vpop (xrf0)  }
0x36: {  	(v2sf) =	vpush v2, $0xF;
	_ =	sdelay $0x6  }
0x37: {  	s2 =	spop (v2sf)  }
0x38: {  	s0 =	sadd.s32 s0, s2  }
0x39: {  	vm0 =	vgt.s32 v1, $0x0;
	s2 =	sadd.s32 $0xFFFFFFFF, s0  }
0x3a: {  	v1 =	vadd.s32 s2, v2;
	_ =	sdelay $0x3  }
0x3b: {  	v2 =	vor.u32 s1, v0  }
0x3c: {  	s21 =	simm.s32 $0x1;
	[tilespmem:v1+s5+$0x0] =	vst.idx.msk vm0, v2;
	s20 =	spop (v2sf)  }
0x3d: {  	_ =	swait.ge [sflag:s21], $0x400  }
0x3e: {  	[sflag:s21] =	ssyncset.done $0x0  }
0x3f: {  	[sflag:s21] =	ssyncadd.s32 $0xFFFFFC00  }
0x40: {  	s0 =	sadd.s32 s0, s20;
	_ =	swait.ge [sflag:s21], $0x400  }
0x41: {  	s0 =	smax.u32 s0, $0x1;
	[sflag:s21] =	ssyncset.done $0x0  }
0x42: {  	[smem:$0x7F9] =	sst s0;
	[sflag:s21] =	ssyncadd.s32 $0xFFFFFC00  }
0x43: {  	v1 =	vmov s0;
	_ =	swait.ge [sflag:s21], $0x400  }
0x44: {  	(v2sf) =	vpush v1, $0xD  }
0x45: {  	(v2sf) =	vpush v1, $0xE  }
0x46: {  	(v2sf) =	vpush v1, $0x1  }
0x47: {  	(v2sf) =	vpush v1, $0x0  }
0x48: {  	(v2sf) =	vpush v1, $0xA  }
0x49: {  	(v2sf) =	vpush v1, $0x2  }
0x4a: {  	(v2sf) =	vpush v1, $0x3  }
0x4b: {  	(v2sf) =	vpush v1, $0xC  }
0x4c: {  	(v2sf) =	vpush v1, $0x4  }
0x4d: {  	(v2sf) =	vpush v1, $0xF  }
0x4e: {  	(v2sf) =	vpush v1, $0x5  }
0x4f: {  	s22 =	simm.s32 $0x0;
	(v2sf) =	vpush v1, $0x6  }
0x50: {  	v2 =	vor.u32 s22, v0;
	(v2sf) =	vpush v1, $0xB  }
0x51: {  	(v2sf) =	vpush v2, $0x4  }
0x52: {  	(v2sf) =	vpush v2, $0x3  }
0x53: {  	(v2sf) =	vpush v2, $0xC;
	s23 =	spop (v2sf)  }
0x54: {  	(v2sf) =	vpush v2, $0xA;
	s0 =	spop (v2sf)  }
0x55: {  	s9 =	spop (v2sf);
	(v2sf) =	vpush v2, $0x6  }
0x56: {  	s7 =	spop (v2sf);
	(v2sf) =	vpush v2, $0xF  }
0x57: {  	(v2sf) =	vpush v2, $0x0;
	s3 =	spop (v2sf)  }
0x58: {  	(v2sf) =	vpush v2, $0x2;
	s24 =	spop (v2sf)  }
0x59: {  	s10 =	spop (v2sf)  }
0x5a: {  	(v2sf) =	vpush v1, $0x8;
	s2 =	spop (v2sf)  }
0x5b: {  	(v2sf) =	vpush v2, $0x5;
	s13 =	spop (v2sf)  }
0x5c: {  	(v2sf) =	vpush v2, $0x1;
	s19 =	spop (v2sf)  }
0x5d: {  	s6 =	spop (v2sf)  }
0x5e: {  	s8 =	sshra.s32 s23, $0x1F;
	s4 =	spop (v2sf)  }
0x5f: {  	s1 =	sxor.u32 s8, s23;
	(v2sf) =	vpush v2, $0x7;
	s14 =	spop (v2sf)  }
0x60: {  	s12 =	ssub.s32 s1, s8;
	s11 =	sshra.s32 s3, $0x1F;
	(v2sf) =	vpush v2, $0xD;
	s17 =	spop (v2sf)  }
0x61: {  	s3 =	sxor.u32 s11, s3;
	s25 =	sshra.s32 s24, $0x1F;
	s22 =	spop (v2sf)  }
0x62: {  	s11 =	ssub.s32 s3, s11;
	s23 =	sshra.s32 s10, $0x1F;
	(v2sf) =	vpush v2, $0x8;
	s18 =	spop (v2sf)  }
0x63: {  	s26 =	sxor.u32 s25, s24;
	s16 =	sshra.s32 s2, $0x1F;
	s15 =	spop (v2sf)  }
0x64: {  	s24 =	ssub.s32 s26, s25;
	s10 =	sxor.u32 s23, s10;
	s8 =	spop (v2sf)  }
0x65: {  	s28 =	sshra.s32 s13, $0x1F;
	s1 =	sshra.s32 s17, $0x1F;
	s20 =	spop (v2sf)  }
0x66: {  	s13 =	sxor.u32 s28, s13;
	s17 =	sxor.u32 s1, s17;
	s25 =	spop (v2sf)  }
0x67: {  	s5 =	ssub.s32 s13, s28;
	s13 =	ssub.s32 s17, s1;
	s26 =	spop (v2sf)  }
0x68: {  	s3 =	sshra.s32 s22, $0x1F;
	(v2sf) =	vpush v2, $0x9;
	(drf) =	srem.u32 s13, s5;
	s5 =	sshra.s32 s26, $0x1F  }
0x69: {  	s13 =	sxor.u32 s3, s22;
	s22 =	spop (v2sf);
	s26 =	sxor.u32 s5, s26  }
0x6a: {  	s10 =	ssub.s32 s10, s23;
	(v2sf) =	vpush v2, $0xB;
	s17 =	spop (v2sf);
	s28 =	ssub.s32 s26, s5  }
0x6b: {  	s13 =	ssub.s32 s13, s3;
	(drf) =	srem.u32 s28, s24;
	s24 =	spop (v2sf)  }
0x6c: {  	(v2sf) =	vpush v2, $0xE;
	s28 =	sshra.s32 s9, $0x1F;
	(drf) =	srem.u32 s13, s10;
	s10 =	sshra.s32 s24, $0x1F  }
0x6d: {  	(v2sf) =	vpush v1, $0x7;
	s26 =	sshra.s32 s19, $0x1F;
	s9 =	sxor.u32 s28, s9;
	s23 =	sxor.u32 s10, s24  }
0x6e: {  	(v2sf) =	vpush v1, $0x9;
	s9 =	ssub.s32 s9, s28;
	s28 =	sshra.s32 s7, $0x1F;
	s24 =	spop (v2sf)  }
0x6f: {  	s13 =	ssub.s32 s23, s10;
	s7 =	sxor.u32 s28, s7;
	s23 =	spop (v2sf)  }
0x70: {  	(drf) =	srem.u32 s13, s9;
	s13 =	sshra.s32 s25, $0x1F;
	s9 =	sxor.u32 s26, s19  }
0x71: {  	s7 =	ssub.s32 s7, s28;
	s28 =	spop (v2sf);
	s25 =	sxor.u32 s13, s25  }
0x72: {  	s19 =	ssub.s32 s25, s13;
	s25 =	ssub.s32 s9, s26;
	s9 =	sshra.s32 s28, $0x1F  }
0x73: {  	(drf) =	srem.u32 s19, s7;
	s7 =	sshra.s32 s22, $0x1F;
	s19 =	sxor.u32 s9, s28  }
0x74: {  	s28 =	sxor.u32 s16, s2;
	s2 =	sshra.s32 s18, $0x1F;
	s22 =	sxor.u32 s7, s22  }
0x75: {  	s19 =	ssub.s32 s19, s9;
	s22 =	ssub.s32 s22, s7;
	s7 =	sshra.s32 s23, $0x1F  }
0x76: {  	s26 =	sxor.u32 s2, s18;
	s23 =	sxor.u32 s7, s23;
	(drf) =	srem.u32 s19, s22  }
0x77: {  	s22 =	sshra.s32 s14, $0x1F;
	s19 =	ssub.s32 s23, s7;
	s23 =	spop (v2sf)  }
0x78: {  	s14 =	sxor.u32 s22, s14;
	(drf) =	srem.u32 s19, s12;
	s19 =	sshra.s32 s20, $0x1F  }
0x79: {  	s12 =	ssub.s32 s28, s16;
	s28 =	spop (v2sf);
	s16 =	ssub.s32 s26, s2  }
0x7a: {  	s14 =	ssub.s32 s14, s22;
	s20 =	sxor.u32 s19, s20;
	(drf) =	srem.u32 s16, s12  }
0x7b: {  	s26 =	spop (v2sf);
	s12 =	sshra.s32 s28, $0x1F;
	s20 =	ssub.s32 s20, s19  }
0x7c: {  	(drf) =	srem.u32 s20, s25;
	s20 =	spop (v2sf);
	s25 =	sxor.u32 s12, s28  }
0x7d: {  	s22 =	sshra.s32 s4, $0x1F;
	s28 =	spop (v2sf);
	s16 =	ssub.s32 s25, s12  }
0x7e: {  	s4 =	sxor.u32 s22, s4;
	s25 =	sshra.s32 s28, $0x1F;
	(drf) =	srem.u32 s16, s14  }
0x7f: {  	s16 =	sshra.s32 s23, $0x1F;
	s14 =	sshra.s32 s15, $0x1F;
	s18 =	sxor.u32 s25, s28  }
0x80: {  	s23 =	sxor.u32 s16, s23;
	s28 =	sxor.u32 s14, s15;
	s15 =	sshra.s32 s17, $0x1F  }
0x81: {  	s18 =	ssub.s32 s18, s25;
	s23 =	ssub.s32 s23, s16;
	s28 =	ssub.s32 s28, s14  }
0x82: {  	s25 =	sshra.s32 s20, $0x1F;
	s17 =	sxor.u32 s15, s17;
	(drf) =	srem.u32 s23, s18  }
0x83: {  	s23 =	spop (drf);
	s18 =	sshra.s32 s24, $0x1F;
	s20 =	sxor.u32 s25, s20  }
0x84: {  	s17 =	ssub.s32 s17, s15;
	(drf) =	srem.u32 s28, s11;
	s28 =	sshra.s32 s6, $0x1F  }
0x85: {  	s24 =	sxor.u32 s18, s24;
	s11 =	ssub.s32 s20, s25;
	s6 =	sxor.u32 s28, s6  }
0x86: {  	s20 =	spop (drf);
	s24 =	ssub.s32 s24, s18;
	s6 =	ssub.s32 s6, s28  }
0x87: {  	(drf) =	srem.u32 s24, s11;
	s11 =	sshra.s32 s8, $0x1F;
	s24 =	spop (drf)  }
0x88: {  	(drf) =	srem.u32 s17, s6;
	s6 =	spop (drf);
	s8 =	sxor.u32 s11, s8  }
0x89: {  	s4 =	ssub.s32 s4, s22;
	s17 =	spop (drf);
	s8 =	ssub.s32 s8, s11  }
0x8a: {  	s22 =	spop (drf);
	(drf) =	srem.u32 s8, s4  }
0x8b: {  	s4 =	sshra.s32 s0, $0x1F;
	s8 =	sshra.s32 s26, $0x1F;
	s25 =	spop (drf)  }
0x8c: {  	s0 =	sxor.u32 s4, s0;
	s26 =	sxor.u32 s8, s26;
	s28 =	spop (drf)  }
0x8d: {  	s0 =	ssub.s32 s0, s4;
	s4 =	ssub.s32 s26, s8;
	s26 =	spop (drf)  }
0x8e: {  	(drf) =	srem.u32 s4, s0;
	s4 =	sxor.u32 s19, s26  }
0x8f: {  	s26 =	sxor.u32 s13, s17;
	s17 =	spop (drf);
	s0 =	ssub.s32 s4, s19  }
0x90: {  	s6 =	sxor.u32 s10, s6;
	s4 =	ssub.s32 s26, s13;
	v2 =	vmov s0;
	s0 =	spop (drf)  }
0x91: {  	s6 =	ssub.s32 s6, s10;
	s26 =	sxor.u32 s5, s20;
	v2 =	vsel vm2, s4, v2;
	s4 =	spop (drf)  }
0x92: {  	s13 =	sxor.u32 s3, s24;
	s5 =	ssub.s32 s26, s5;
	v2 =	vsel vm3, s6, v2;
	s19 =	spop (drf)  }
0x93: {  	s20 =	sxor.u32 s1, s23;
	s3 =	ssub.s32 s13, s3;
	v2 =	vsel vm4, s5, v2;
	s23 =	spop (drf)  }
0x94: {  	s1 =	ssub.s32 s20, s1;
	v2 =	vsel vm5, s3, v2;
	s24 =	sxor.u32 s15, s23;
	s26 =	spop (drf)  }
0x95: {  	v2 =	vsel vm6, s1, v2;
	s3 =	ssub.s32 s24, s15;
	s10 =	sxor.u32 s11, s26  }
0x96: {  	s15 =	sxor.u32 s18, s19;
	v2 =	vsel vm7, s3, v2;
	s13 =	ssub.s32 s10, s11  }
0x97: {  	s3 =	ssub.s32 s15, s18;
	s18 =	sxor.u32 s9, s22;
	v2 =	vsel vm8, s13, v2  }
0x98: {  	s0 =	sxor.u32 s16, s0;
	s1 =	ssub.s32 s18, s9;
	v2 =	vsel vm9, s3, v2  }
0x99: {  	s0 =	ssub.s32 s0, s16;
	s19 =	sxor.u32 s14, s4;
	v2 =	vsel vm10, s1, v2  }
0x9a: {  	s20 =	sxor.u32 s12, s17;
	s1 =	ssub.s32 s19, s14;
	v2 =	vsel vm11, s0, v2  }
0x9b: {  	s23 =	sxor.u32 s7, s25;
	s22 =	sxor.u32 s2, s28;
	s0 =	ssub.s32 s20, s12;
	v2 =	vsel vm12, s1, v2  }
0x9c: {  	s24 =	spop (drf);
	s28 =	sld [smem:$0x7F9];
	s1 =	ssub.s32 s22, s2;
	v2 =	vsel vm13, s0, v2  }
0x9d: {  	s25 =	ssub.s32 s23, s7;
	s2 =	sxor.u32 s8, s24;
	v2 =	vsel vm14, s1, v2  }
0x9e: {  	[sflag:s21] =	ssyncset.done $0x0;
	s26 =	ssub.s32 s2, s8;
	v2 =	vsel vm15, s25, v2  }
0x9f: {  	vm0 =	vmxor vm0, vm0;
	[sflag:s21] =	ssyncadd.s32 $0xFFFFFC00;
	s6 =	simm.s32 $0x1800;
	p0 =	slt.s32 s28, $0x0;
	v2 =	vsel vm1, s26, v2  }
0xa0: {  	s7 =	simm.s32 $0x1400;
	s23 =	simm.s32 $0x1C00;
	s15 =	simm.s32 $0x1800;
	vm0 =	vmneg @p0 vm0;
	vm1 =	vne.s32 v2, $0x0  }
0xa1: {  	s8 =	simm.s32 $0x1400;
	s1 =	simm.s32 $0x10;
	s26 =	simm.s32 $0x1C00;
	vm1 =	vmand vm0, vm1  }
.LBB2_5:
0xa2: {  	(v2sf) =	vpush v1, $0xD  }
0xa3: {  	(v2sf) =	vpush v1, $0xE;
	_ =	sdelay $0x1  }
0xa4: {  	(v2sf) =	vpush v1, $0x1  }
0xa5: {  	v3 =	vnsel vm1, $0x0, v1;
	(v2sf) =	vpush v1, $0x0  }
0xa6: {  	v2 =	vadd.s32 v2, v3;
	(v2sf) =	vpush v1, $0xA;
	_ =	sdelay $0x1  }
0xa7: {  	(v2sf) =	vpush v1, $0x2  }
0xa8: {  	(v2sf) =	vpush v1, $0x3  }
0xa9: {  	s14 =	simm.s32 $0x400;
	(v2sf) =	vpush v1, $0xC  }
0xaa: {  	v2 =	vld.idx.msk [tilespmem:v2+s14+$0x0], $0xffff  }
0xab: {  	s7 =	sadd.s32 $0x10, s7;
	(v2sf) =	vpush v1, $0x4  }
0xac: {  	s15 =	sadd.s32 $0x10, s15;
	[dreg:$0x3] =	wrdreg s7;
	(v2sf) =	vpush v1, $0xF  }
0xad: {  	s23 =	sadd.s32 $0x10, s23;
	[dreg:$0x4] =	wrdreg s15;
	(v2sf) =	vpush v1, $0x5  }
0xae: {  	p0 =	sne.s32 s1, $0x3F0;
	s13 =	sadd.s32 $0x10, s1;
	[dreg:$0x5] =	wrdreg s23  }
0xaf: {  	s0 =	smov.u32 s1;
	[dreg:$0x6] =	wrdreg s13;
	(v2sf) =	vpush v1, $0x6;
	s15 =	spop (v2sf)  }
0xb0: {  	s10 =	smov.u32 s7;
	s16 =	sshra.s32 s15, $0x1F;
	s2 =	spop (v2sf)  }
0xb1: {  	v3 =	vor.u32 s0, v0;
	[dreg:$0x7] =	wrdreg s10;
	(v2sf) =	vpush v1, $0xB;
	s0 =	sxor.u32 s16, s15;
	s3 =	sshra.s32 s2, $0x1F  }
0xb2: {  	(v2sf) =	vpush v3, $0x4;
	v4 =	vld.idx.msk [tilespmem:v2+s29+$0x0], $0xffff;
	s4 =	spop (v2sf);
	s0 =	ssub.s32 s0, s16;
	s17 =	sxor.u32 s3, s2  }
0xb3: {  	(v2sf) =	vpush v3, $0x3;
	s18 =	spop (v2sf);
	s16 =	sshra.s32 s4, $0x1F;
	[dreg:$0x9] =	wrdreg s0  }
0xb4: {  	(v2sf) =	vpush v3, $0xC;
	s0 =	ssub.s32 s17, s3;
	s2 =	spop (v2sf);
	s17 =	sshra.s32 s18, $0x1F  }
0xb5: {  	s4 =	sxor.u32 s16, s4;
	[dreg:$0x8] =	wrdreg s0;
	s9 =	sshra.s32 s2, $0x1F  }
0xb6: {  	(v2sf) =	vpush v3, $0xA;
	s5 =	spop (v2sf);
	s18 =	sxor.u32 s17, s18;
	s7 =	ssub.s32 s4, s16  }
0xb7: {  	[tilespmem:s8+$0x0] =	vst v4;
	s0 =	sxor.u32 s9, s2;
	s11 =	spop (v2sf);
	s23 =	sshra.s32 s5, $0x1F  }
0xb8: {  	(v2sf) =	vpush v3, $0x6;
	v4 =	vld.idx.msk [tilespmem:v2+s30+$0x0], $0xffff;
	[dreg:$0x17] =	wrdreg s7;
	s0 =	ssub.s32 s0, s9;
	s20 =	spop (v2sf)  }
0xb9: {  	(v2sf) =	vpush v3, $0xF;
	s9 =	sshra.s32 s11, $0x1F;
	[dreg:$0xa] =	wrdreg s0;
	s21 =	sshra.s32 s20, $0x1F  }
0xba: {  	(v2sf) =	vpush v3, $0x0;
	s22 =	spop (v2sf);
	s11 =	sxor.u32 s9, s11;
	[dreg:$0xf] =	wrdreg s21  }
0xbb: {  	(v2sf) =	vpush v3, $0x2;
	s13 =	sshra.s32 s22, $0x1F;
	s12 =	spop (v2sf);
	s0 =	sxor.u32 s21, s20  }
0xbc: {  	(v2sf) =	vpush v1, $0x8;
	s30 =	ssub.s32 s11, s9;
	s24 =	spop (v2sf);
	[dreg:$0xe] =	wrdreg s0  }
0xbd: {  	(v2sf) =	vpush v3, $0x5;
	s14 =	sshra.s32 s12, $0x1F;
	[tilespmem:s6+$0x0] =	vst v4;
	s6 =	sxor.u32 s23, s5;
	[dreg:$0xb] =	wrdreg s24  }
0xbe: {  	(v2sf) =	vpush v3, $0x1;
	s25 =	spop (v2sf);
	s1 =	sxor.u32 s14, s12;
	s12 =	ssub.s32 s18, s17  }
0xbf: {  	s2 =	sxor.u32 s13, s22;
	s28 =	sshra.s32 s25, $0x1F;
	[dreg:$0x14] =	wrdreg s12  }
0xc0: {  	s19 =	spop (v2sf);
	s12 =	ssub.s32 s2, s13;
	[dreg:$0x13] =	wrdreg s28  }
0xc1: {  	v2 =	vld.idx.msk [tilespmem:v2+s31+$0x0], $0xffff;
	s0 =	sxor.u32 s28, s25;
	s20 =	spop (v2sf);
	s15 =	sshra.s32 s19, $0x1F  }
0xc2: {  	(v2sf) =	vpush v3, $0x7;
	[dreg:$0x12] =	wrdreg s0;
	s3 =	spop (v2sf);
	s0 =	ssub.s32 s1, s14  }
0xc3: {  	s22 =	sshra.s32 s20, $0x1F;
	[dreg:$0xd] =	wrdreg s0;
	s1 =	spop (v2sf)  }
0xc4: {  	(v2sf) =	vpush v3, $0xD;
	s28 =	sxor.u32 s15, s19;
	s0 =	ssub.s32 s6, s23;
	[dreg:$0x18] =	wrdreg s1  }
0xc5: {  	s9 =	ssub.s32 s28, s15;
	[dreg:$0x19] =	wrdreg s0;
	s10 =	spop (v2sf)  }
0xc6: {  	[tilespmem:s26+$0x0] =	vst v2;
	s26 =	sshra.s32 s3, $0x1F;
	s17 =	sshra.s32 s1, $0x1F;
	[dreg:$0x15] =	wrdreg s9  }
0xc7: {  	(v2sf) =	vpush v3, $0x8;
	s16 =	spop (v2sf);
	s18 =	sxor.u32 s26, s3;
	s3 =	sxor.u32 s22, s20  }
0xc8: {  	s14 =	sshra.s32 s16, $0x1F;
	s21 =	spop (v2sf);
	s11 =	ssub.s32 s18, s26  }
0xc9: {  	(v2sf) =	vpush v3, $0x9;
	s18 =	sshra.s32 s10, $0x1F;
	s4 =	spop (v2sf);
	s8 =	sshra.s32 s21, $0x1F  }
0xca: {  	[dreg:$0x10] =	wrdreg s14;
	s10 =	sxor.u32 s18, s10;
	s6 =	spop (v2sf)  }
0xcb: {  	(v2sf) =	vpush v3, $0xB;
	s9 =	sshra.s32 s4, $0x1F;
	s10 =	ssub.s32 s10, s18;
	s24 =	spop (v2sf)  }
0xcc: {  	s5 =	sxor.u32 s9, s4;
	s4 =	sxor.u32 s8, s21;
	s23 =	spop (v2sf)  }
0xcd: {  	s28 =	sshra.s32 s24, $0x1F;
	s25 =	sshra.s32 s23, $0x1F;
	s2 =	spop (v2sf)  }
0xce: {  	(v2sf) =	vpush v3, $0xE;
	s24 =	sxor.u32 s28, s24;
	[dreg:$0xc] =	wrdreg s25;
	s7 =	sxor.u32 s25, s23  }
0xcf: {  	s23 =	sshra.s32 s6, $0x1F;
	s31 =	sshra.s32 s2, $0x1F;
	s0 =	ssub.s32 s7, s25  }
0xd0: {  	(v2sf) =	vpush v1, $0x7;
	s25 =	ssub.s32 s3, s22;
	s3 =	sxor.u32 s31, s2;
	[dreg:$0x11] =	wrdreg s0  }
0xd1: {  	s6 =	sxor.u32 s23, s6;
	s13 =	spop (v2sf);
	(drf) =	srem.u32 s25, s12  }
0xd2: {  	s6 =	ssub.s32 s6, s23;
	s12 =	sxor.u32 s14, s16;
	s25 =	rddreg [dreg:$0x19]  }
0xd3: {  	s3 =	ssub.s32 s3, s31;
	s19 =	sshra.s32 s13, $0x1F;
	s29 =	spop (v2sf)  }
0xd4: {  	(v2sf) =	vpush v1, $0x9;
	(drf) =	srem.u32 s6, s25;
	s20 =	sxor.u32 s19, s13;
	s13 =	ssub.s32 s5, s9  }
0xd5: {  	(drf) =	srem.u32 s11, s30;
	s11 =	ssub.s32 s12, s14;
	s14 =	rddreg [dreg:$0x17]  }
0xd6: {  	s20 =	ssub.s32 s20, s19;
	s1 =	spop (v2sf);
	[dreg:$0x1a] =	wrdreg s11  }
0xd7: {  	(drf) =	srem.u32 s3, s14;
	s11 =	ssub.s32 s24, s28;
	s14 =	ssub.s32 s4, s8  }
0xd8: {  	[dreg:$0x16] =	wrdreg s20;
	s20 =	sshra.s32 s1, $0x1F;
	s2 =	spop (v2sf)  }
0xd9: {  	s3 =	rddreg [dreg:$0x13];
	s0 =	sxor.u32 s20, s1;
	s7 =	sshra.s32 s2, $0x1F  }
0xda: {  	s15 =	ssub.s32 s0, s20;
	s2 =	sxor.u32 s7, s2;
	s5 =	spop (v2sf)  }
0xdb: {  	s25 =	ssub.s32 s2, s7;
	s2 =	rddreg [dreg:$0x12];
	s16 =	sshra.s32 s5, $0x1F  }
0xdc: {  	s30 =	ssub.s32 s2, s3;
	s2 =	rddreg [dreg:$0xf];
	s0 =	spop (drf)  }
0xdd: {  	s12 =	sxor.u32 s16, s5;
	s5 =	sshra.s32 s29, $0x1F;
	s21 =	spop (v2sf)  }
0xde: {  	s4 =	sxor.u32 s5, s29;
	s29 =	sxor.u32 s22, s0;
	s0 =	spop (drf)  }
0xdf: {  	s3 =	rddreg [dreg:$0x14];
	s12 =	ssub.s32 s12, s16;
	s1 =	spop (v2sf)  }
0xe0: {  	(drf) =	srem.u32 s13, s3;
	s3 =	rddreg [dreg:$0x18];
	s6 =	sshra.s32 s1, $0x1F  }
0xe1: {  	s13 =	spop (drf);
	s24 =	sxor.u32 s6, s1;
	s1 =	rddreg [dreg:$0xe]  }
0xe2: {  	s24 =	ssub.s32 s24, s6;
	s6 =	ssub.s32 s4, s5;
	s4 =	ssub.s32 s1, s2  }
0xe3: {  	s2 =	sxor.u32 s23, s0;
	s0 =	sxor.u32 s17, s3;
	s28 =	spop (v2sf)  }
0xe4: {  	s13 =	sxor.u32 s26, s13;
	s3 =	ssub.s32 s0, s17;
	s0 =	spop (drf)  }
0xe5: {  	(drf) =	srem.u32 s15, s11;
	s2 =	ssub.s32 s2, s23;
	s11 =	rddreg [dreg:$0x9]  }
0xe6: {  	(drf) =	srem.u32 s6, s11;
	s11 =	ssub.s32 s13, s26;
	s13 =	rddreg [dreg:$0x15]  }
0xe7: {  	s1 =	sshra.s32 s28, $0x1F;
	(drf) =	srem.u32 s3, s4;
	s4 =	rddreg [dreg:$0xd]  }
0xe8: {  	s28 =	sxor.u32 s1, s28;
	(drf) =	srem.u32 s14, s4;
	s14 =	rddreg [dreg:$0xb]  }
0xe9: {  	s1 =	ssub.s32 s28, s1;
	(drf) =	srem.u32 s12, s13;
	s4 =	sshra.s32 s14, $0x1F  }
0xea: {  	s28 =	rddreg [dreg:$0xa];
	(drf) =	srem.u32 s25, s1;
	s25 =	sxor.u32 s4, s14  }
0xeb: {  	s14 =	spop (drf);
	s1 =	ssub.s32 s25, s4;
	s25 =	rddreg [dreg:$0x16]  }
0xec: {  	s0 =	sxor.u32 s31, s0;
	(drf) =	srem.u32 s10, s28;
	s28 =	rddreg [dreg:$0x11]  }
0xed: {  	s10 =	ssub.s32 s29, s22;
	s22 =	rddreg [dreg:$0x1a];
	(drf) =	srem.u32 s25, s24  }
0xee: {  	s3 =	sshra.s32 s21, $0x1F;
	(drf) =	srem.u32 s28, s1;
	s1 =	spop (drf)  }
0xef: {  	s13 =	sxor.u32 s3, s21;
	(drf) =	srem.u32 s22, s30;
	s24 =	spop (drf)  }
0xf0: {  	s21 =	ssub.s32 s13, s3;
	s28 =	rddreg [dreg:$0x8];
	s25 =	spop (drf)  }
0xf1: {  	s14 =	sxor.u32 s9, s14;
	(drf) =	srem.u32 s21, s28;
	s21 =	spop (drf)  }
0xf2: {  	s0 =	ssub.s32 s0, s31;
	s4 =	ssub.s32 s14, s9;
	s12 =	sxor.u32 s8, s21  }
0xf3: {  	s1 =	sxor.u32 s20, s1;
	s22 =	spop (drf);
	s8 =	ssub.s32 s12, s8  }
0xf4: {  	s13 =	sxor.u32 s5, s24;
	s14 =	sxor.u32 s17, s25;
	s24 =	spop (drf);
	v2 =	vmov s8  }
0xf5: {  	s1 =	ssub.s32 s1, s20;
	s9 =	ssub.s32 s14, s17;
	s28 =	spop (drf);
	v2 =	vsel vm2, s4, v2  }
0xf6: {  	s21 =	rddreg [dreg:$0xc];
	s25 =	sxor.u32 s7, s24;
	s17 =	spop (drf);
	v2 =	vsel vm3, s0, v2  }
0xf7: {  	s14 =	sxor.u32 s16, s22;
	s4 =	ssub.s32 s25, s7;
	s20 =	spop (drf);
	v2 =	vsel vm4, s2, v2  }
0xf8: {  	s25 =	rddreg [dreg:$0x10];
	s7 =	sxor.u32 s21, s20;
	s22 =	spop (drf);
	v2 =	vsel vm5, s11, v2  }
0xf9: {  	s12 =	sxor.u32 s18, s28;
	s7 =	ssub.s32 s7, s21;
	s28 =	sxor.u32 s25, s22;
	v2 =	vsel vm6, s10, v2  }
0xfa: {  	s8 =	sxor.u32 s19, s17;
	v2 =	vsel vm7, s7, v2;
	s7 =	ssub.s32 s28, s25  }
0xfb: {  	s8 =	ssub.s32 s8, s19;
	v2 =	vsel vm8, s7, v2  }
0xfc: {  	v2 =	vsel vm9, s8, v2  }
0xfd: {  	v2 =	vsel vm10, s1, v2  }
0xfe: {  	s5 =	ssub.s32 s13, s5;
	s13 =	ssub.s32 s12, s18;
	v2 =	vsel vm11, s4, v2  }
0xff: {  	s18 =	ssub.s32 s14, s16;
	v2 =	vsel vm12, s13, v2  }
0x100: {  	s24 =	spop (drf);
	v2 =	vsel vm13, s18, v2  }
.Ltmp2:
0x101: {  	s15 =	rddreg [dreg:$0x4];
	s10 =	sxor.u32 s3, s24;
	v2 =	vsel vm14, s9, v2;
	(pc) =	sbr.rel @p0 .LBB2_5-.Ltmp2, $4  }
0x102: {  	vm1 =	vcmask $0x3B38;
	s23 =	rddreg [dreg:$0x5];
	s3 =	ssub.s32 s10, s3;
	v2 =	vsel vm15, s5, v2  }
0x103: {  	s6 =	smov.u32 s15;
	s7 =	rddreg [dreg:$0x3];
	v2 =	vsel vm1, s3, v2  }
0x104: {  	s26 =	smov.u32 s23;
	s31 =	simm.s32 $0x1000;
	s8 =	rddreg [dreg:$0x7];
	vm1 =	vne.s32 v2, $0x0  }
0x105: {  	s29 =	simm.s32 $0x800;
	s30 =	simm.s32 $0xC00;
	s1 =	rddreg [dreg:$0x6];
	vm1 =	vmand vm0, vm1  }
0x106: {  	v1 =	vnsel vm1, $0x0, v1  }
0x107: {  	v1 =	vadd.s32 v2, v1;
	_ =	sdelay $0x3  }
0x108: {  	s5 =	simm.s32 $0x400  }
0x109: {  	v1 =	vld.idx.msk [tilespmem:v1+s5+$0x0], $0xffff;
	_ =	sdelay $0x7  }
0x10a: {  	v2 =	vld.idx.msk [tilespmem:v1+s29+$0x0], $0xffff;
	_ =	sdelay $0x4  }
0x10b: {  	[tilespmem:s8+$0x0] =	vst v2  }
0x10c: {  	v2 =	vld.idx.msk [tilespmem:v1+s30+$0x0], $0xffff;
	_ =	sdelay $0x4  }
0x10d: {  	[tilespmem:s6+$0x0] =	vst v2  }
0x10e: {  	v1 =	vld.idx.msk [tilespmem:v1+s31+$0x0], $0xffff;
	_ =	sdelay $0x4  }
0x10f: {  	s0 =	simm.s32 $0x0;
	s1 =	rddreg [dreg:$0x1b];
	s2 =	simm.s32 $0x1400;
	[tilespmem:s26+$0x0] =	vst v1  }
0x110: {  	[hbm4b:s1+s0] =	stream.linear.scatter [tilespmem:s2], [sflag:$0x2], $0x400, $0x38;
	[tilespmem:$0x2000] =	vst v63  }
0x111: {  	s2 =	simm.s32 $0x2  }
0x112: {  	_ =	swait.ge [sflag:s2], $0x400  }
0x113: {  	[sflag:s2] =	ssyncset.done $0x0  }
0x114: {  	s3 =	simm.s32 $0x1800;
	s23 =	rddreg [dreg:$0x1c];
	[sflag:s2] =	ssyncadd.s32 $0xFFFFFC00  }
0x115: {  	[hbm4b:s23+s0] =	stream.linear.scatter [tilespmem:s3], [sflag:$0x2], $0x400, $0x38;
	[tilespmem:$0x2000] =	vst v63  }
0x116: {  	_ =	swait.ge [sflag:s2], $0x400  }
0x117: {  	[sflag:s2] =	ssyncset.done $0x0  }
0x118: {  	s25 =	simm.s32 $0x1C00;
	s24 =	rddreg [dreg:$0x1d];
	[sflag:s2] =	ssyncadd.s32 $0xFFFFFC00  }
0x119: {  	[hbm4b:s24+s0] =	stream.linear.scatter [tilespmem:s25], [sflag:$0x2], $0x400, $0x38;
	[tilespmem:$0x2000] =	vst v63  }
0x11a: {  	_ =	swait.ge [sflag:s2], $0x400  }
0x11b: {  	s26 =	sld [smem:$0x7FA]  }
0x11c: {  	s28 =	sld [smem:$0x7FD];
	_ =	sdelay $0x1  }
0x11d: {  	s1 =	sadd.s32 $0x1, s26  }
0x11e: {  	p0 =	sne.s32 s1, s28  }
.Ltmp3:
0x11f: {  	_ = 	snop;
	(pc) =	sbr.rel @p0 .LBB2_2-.Ltmp3, $3  }
0x120: {  	_ =	sdelay $0x1  }
0x121: {  	[sflag:s2] =	ssyncset.done $0x0  }
0x122: {  	vm1 =	vcmask $0x3B38;
	[sflag:s2] =	ssyncadd.s32 $0xFFFFFC00  }
.LBB2_7:
0x123: {  	_ =	sfence.sel $0x180000  }
0x124: {  	[bflag:$0x0] =	sbarrier.arrive $0xFFFF  }
0x125: {  	_ =	strace $0x90000047  }
0x126: {  	s0 =	stileid.u32;
	[bflag:$0x2] =	sbarrier.arrive $0xFFFF  }
0x127: {  	p0 =	sne.s32 s0, $0x0;
	s0 =	rddreg [dreg:$0x2]  }
0x128: {  	s0 =	sadd.s32 @!p0 $0x100000, s0  }
0x129: {  	[sflag:s0] =	ssyncadd.tile.s32 @!p0 $0x1;
	_ =	shalt  }
.Lfunc_end2:
_tile_overlayer_lowered:
.L_overlay_start_2:
0x12a: {  	(tag) =	ssettag $0x2  }
0x12b: {  	s0 =	rddreg [dreg:$0x0];
	s2 =	stileid.u32  }
0x12c: {  	s1 =	rddreg [dreg:$0x1];
	p0 =	sne.s32 s2, $0x0  }
0x12d: {  	s3 =	rddreg [dreg:$0x2];
	[bflag:$0x3] =	sbarrier.arrive $0xFFFF;
	s2 =	simm.s32 @!p0 $0x1C02  }
0x12e: {  	[timem:s3], [sflag:s2] =	dma.local @!p0 [hbm:s0], s1  }
0x12f: {  	s0 =	simm.s32 @!p0 $0x2  }
0x130: {  	_ =	swait.ge @!p0 [sflag:s0], s1  }
0x131: {  	s1 =	ssub.s32 @!p0 $0x0, s1;
	[sflag:s0] =	ssyncset.done @!p0 $0x0  }
0x132: {  	[sflag:s0] =	ssyncadd.s32 @!p0 s1  }
0x133: {  	[bflag:$0x3] =	sbarrier.arrive $0xFFFF  }
0x134: {  	_ =	shalt  }

</sc_bundles>
